<compile_context>
chip_gen: v7x
topology: tpu7x:2x2x1
jax: 0.10.2.dev20260603
libtpu: 0.0.44.dev20260713+nightly
codegen_flags: <defaults>
</compile_context>

<pallas_src>
import functools

import numpy as np

import jax
import jax.numpy as jnp
from jax import lax
from jax.experimental import pallas as pl
from jax.experimental.pallas import tpu as pltpu
from jax.experimental.pallas import tpu_sc as plsc

_FEATURE_DIMS = [119, 5, 12, 12, 10, 6, 6, 2, 2]
_NF = len(_FEATURE_DIMS)
_C = 256
_K = sum(_FEATURE_DIMS)
_K_PAD = 176
_STRIDE = 257
_NB = 32
_NW = 32
_NSB = 100000 // _NB
_REM = _NSB - (_NSB // _NW) * _NW


def _sc_body(table_hbm, idx_hbm, out_hbm, table_v, idx_v, out_v):
    wid = lax.axis_index("s") * 2 + lax.axis_index("c")
    pltpu.sync_copy(table_hbm, table_v)
    n_sb = jnp.where(wid < _REM, _NSB // _NW + 1, _NSB // _NW)

    def sb_body(k, carry):
        sb = wid + k * _NW
        iota = lax.broadcasted_iota(jnp.int32, (16,), 0)
        pltpu.sync_copy(idx_hbm.at[sb], idx_v)
        for g in range(_NB // 16):
            rows = [idx_v[i, pl.ds(g * 16, 16)] for i in range(_NF)]
            base = [r * _STRIDE for r in rows]
            dst_rows = iota + (g * 16)

            @plsc.parallel_loop(0, _C, 1, unroll=4)
            def ch_body(ch, base=base, dst_rows=dst_rows, iota=iota):
                colv = (ch & -16) + ((iota + ch) & 15)
                gs = [plsc.load_gather(table_v, [base[i] + colv])
                      for i in range(_NF)]
                while len(gs) > 1:
                    gs = [a + b for a, b in zip(gs[::2], gs[1::2])] + (
                        [gs[-1]] if len(gs) % 2 else [])
                plsc.store_scatter(out_v, [dst_rows, colv], gs[0])
        pltpu.sync_copy(out_v, out_hbm.at[pl.ds(sb * _NB, _NB), :])
        return carry

    lax.fori_loop(0, n_sb, sb_body, 0)


def kernel(x, batch, emb_0, emb_1, emb_2, emb_3, emb_4, emb_5, emb_6, emb_7,
           emb_8):
    del batch
    embs = [emb_0, emb_1, emb_2, emb_3, emb_4, emb_5, emb_6, emb_7, emb_8]
    table = jnp.concatenate(embs, axis=0)
    table = jnp.pad(table, ((0, _K_PAD - _K), (0, _STRIDE - _C))).reshape(-1)

    offs = np.zeros((1, _NF), np.int32)
    acc = 0
    for i, d in enumerate(_FEATURE_DIMS):
        offs[0, i] = acc
        acc += d
    n = x.shape[0]
    flat = x.astype(jnp.int32) + jnp.asarray(offs)
    idx = jnp.transpose(flat.reshape(_NSB, _NB, _NF), (0, 2, 1))
    idx = jnp.concatenate(
        [idx, jnp.zeros((_NSB, 16 - _NF, _NB), jnp.int32)], axis=1)

    mesh = plsc.VectorSubcoreMesh(
        core_axis_name="c", subcore_axis_name="s", num_cores=2,
        num_subcores=16)
    k = pl.kernel(
        _sc_body,
        out_type=jax.ShapeDtypeStruct((n, _C), jnp.float32),
        mesh=mesh,
        scratch_types=[
            pltpu.VMEM((_K_PAD * _STRIDE,), jnp.float32),
            pltpu.VMEM((16, _NB), jnp.int32),
            pltpu.VMEM((_NB, _C), jnp.float32),
        ],
        compiler_params=pltpu.CompilerParams(needs_layout_passes=False),
    )
    return k(table, idx)

# --- scband reference (transcript-rebuilt; emitter-appended) ---
"""Pipeline reference for scband-simple-atom-encoder-43301860278897 (READ-ONLY COPY).

The authoritative reference and input builder live on the scoring server;
editing this copy changes nothing except your own understanding.
"""

import jax, jax.numpy as jnp
import numpy as np

FEATURE_DIMS = [119, 5, 12, 12, 10, 6, 6, 2, 2]
IN_CHANNELS = 256
N = 100000
N_GRAPHS = 128


def setup_inputs(seed: int = 0) -> dict:
    key = jax.random.key(seed)
    ks = jax.random.split(key, 2 + len(FEATURE_DIMS))
    # x values must be in-range for every table; min table size is 2, so sample in [0, 2)
    x = jax.random.randint(ks[0], (N, len(FEATURE_DIMS)), 0, 2)
    batch = jnp.sort(jax.random.randint(ks[1], (N,), 0, N_GRAPHS))
    inp = {"x": x, "batch": batch}
    for i, d in enumerate(FEATURE_DIMS):
        # OGB AtomEncoder uses xavier_uniform per table
        limit = float(np.sqrt(6.0 / (d + IN_CHANNELS)))
        inp[f"emb_{i}"] = jax.random.uniform(ks[2 + i], (d, IN_CHANNELS), minval=-limit, maxval=limit, dtype=jnp.float32)
    return inp


def reference(x, batch, emb_0, emb_1, emb_2, emb_3, emb_4, emb_5, emb_6, emb_7, emb_8):
    # SimpleAtomEncoder.forward: x = atom_encoder(x.long()); batch is unused
    embs = [emb_0, emb_1, emb_2, emb_3, emb_4, emb_5, emb_6, emb_7, emb_8]
    x = x.astype(jnp.int32)
    out = jnp.zeros((x.shape[0], IN_CHANNELS), dtype=jnp.float32)
    for i in range(len(embs)):
        out = out + jnp.take(embs[i], x[:, i], axis=0)
    return out

if __name__ == "__main__":
    import jax
    _d = setup_inputs()
    print(jax.jit(kernel)(*tuple(_d.values())))

</pallas_src>

<mosaic_0001>
#map = affine_map<(d0, d1) -> (0)>
#map1 = affine_map<(d0, d1) -> (0, 0, 0)>
#map2 = affine_map<(d0, d1) -> (0, 0)>
module attributes {stable_mosaic.version = 14 : i64} {
  func.func @_sc_body(%arg0: i32, %arg1: i32, %arg2: memref<45232xf32, #tpu.memory_space<hbm>>, %arg3: memref<3125x16x32xi32, #tpu.memory_space<hbm>>, %arg4: memref<100000x256xf32, #tpu.memory_space<hbm>>, %arg5: memref<45232xf32, #tpu.memory_space<vmem>>, %arg6: memref<16x32xi32, #tpu.memory_space<vmem>>, %arg7: memref<32x256xf32, #tpu.memory_space<vmem>>) attributes {dimension_semantics = [#tpu.dimension_semantics<core_parallel>, #tpu.dimension_semantics<subcore_parallel>], iteration_bounds = array<i64: 2, 16>, scalar_prefetch = 0 : i64, scratch_operands = 3 : i64, tpu.core_type = #tpu.core_type<sc_vector_subcore>, window_params = [{transform_indices = #map}, {transform_indices = #map1}, {transform_indices = #map2}]} {
    %mul3A = arith.constant 2 : i32
    %mul3A_0 = arith.muli %arg1, %mul3A : i32
    %add3A = arith.addi %mul3A_0, %arg0 : i32
    "tpu.region"() ({
      %run_scoped3A = tpu.sem_alloc : memref<!tpu.dma_semaphore, #tpu.memory_space<semaphore_mem>>
      tpu.enqueue_dma source(%arg2 : memref<45232xf32, #tpu.memory_space<hbm>>) target(%arg5 : memref<45232xf32, #tpu.memory_space<vmem>>) target_semaphore(%run_scoped3A : memref<!tpu.dma_semaphore, #tpu.memory_space<semaphore_mem>>)
      tpu.wait_dma2 semaphore(%run_scoped3A : memref<!tpu.dma_semaphore, #tpu.memory_space<semaphore_mem>>) src(%arg2 : memref<45232xf32, #tpu.memory_space<hbm>>) dst(%arg5 : memref<45232xf32, #tpu.memory_space<vmem>>)
      tpu.yield
    }) : () -> ()
    %lt3A = arith.constant 21 : i32
    %lt3A_1 = arith.cmpi slt, %add3A, %lt3A : i32
    %jit3A = arith.constant 98 : i32
    %jit3A_2 = arith.constant 97 : i32
    %select_n3A = arith.select %lt3A_1, %jit3A, %jit3A_2 : i32
    %while3A = arith.constant 0 : i32
    %while3A_3 = arith.constant 0 : i32
    %while3A_4 = arith.subi %select_n3A, %while3A_3 : i32
    %while3A_5 = arith.addi %while3A_3, %while3A_4 : i32
    %while3A_6 = arith.constant 1 : i32
    %while3A_7 = arith.divsi %while3A_4, %while3A_6 : i32
    %while3A_8 = arith.muli %while3A_7, %while3A_6 : i32
    %while3A_9 = arith.addi %while3A_3, %while3A_8 : i32
    %while3A_10 = arith.constant 1 : i32
    scf.for %while3A_12 = %while3A_3 to %while3A_9 step %while3A_10  : i32 {
      %mul3A_13 = arith.constant 32 : i32
      %mul3A_14 = arith.muli %while3A_12, %mul3A_13 : i32
      %add3A_15 = arith.addi %add3A, %mul3A_14 : i32
      %iota3A = tpu.iota {dimensions = array<i32: 0>} : vector<16xi32>
      "tpu.region"() ({
        %run_scoped3A = tpu.sem_alloc : memref<!tpu.dma_semaphore, #tpu.memory_space<semaphore_mem>>
        %dma_start3A = arith.constant 0 : i32
        %dma_start3A_154 = arith.constant 0 : i32
        %dma_start3A_155 = tpu.memref_slice %arg3[%add3A_15, %dma_start3A, %dma_start3A_154] : memref<3125x16x32xi32, #tpu.memory_space<hbm>> -> memref<1x16x32xi32, #tpu.memory_space<hbm>>
        %dma_start3A_156 = tpu.memref_squeeze %dma_start3A_155 : memref<1x16x32xi32, #tpu.memory_space<hbm>> -> memref<16x32xi32, #tpu.memory_space<hbm>>
        %dma_start3A_157 = arith.constant 0 : i32
        %dma_start3A_158 = arith.constant 0 : i32
        %dma_start3A_159 = tpu.memref_slice %arg3[%add3A_15, %dma_start3A_157, %dma_start3A_158] : memref<3125x16x32xi32, #tpu.memory_space<hbm>> -> memref<1x16x32xi32, #tpu.memory_space<hbm>>
        %dma_start3A_160 = tpu.memref_squeeze %dma_start3A_159 : memref<1x16x32xi32, #tpu.memory_space<hbm>> -> memref<16x32xi32, #tpu.memory_space<hbm>>
        tpu.enqueue_dma source(%dma_start3A_160 : memref<16x32xi32, #tpu.memory_space<hbm>>) target(%arg6 : memref<16x32xi32, #tpu.memory_space<vmem>>) target_semaphore(%run_scoped3A : memref<!tpu.dma_semaphore, #tpu.memory_space<semaphore_mem>>)
        %dma_wait3A = arith.constant 0 : i32
        %dma_wait3A_161 = arith.constant 0 : i32
        %dma_wait3A_162 = tpu.memref_slice %arg3[%add3A_15, %dma_wait3A, %dma_wait3A_161] : memref<3125x16x32xi32, #tpu.memory_space<hbm>> -> memref<1x16x32xi32, #tpu.memory_space<hbm>>
        %dma_wait3A_163 = tpu.memref_squeeze %dma_wait3A_162 : memref<1x16x32xi32, #tpu.memory_space<hbm>> -> memref<16x32xi32, #tpu.memory_space<hbm>>
        %dma_wait3A_164 = arith.constant 0 : i32
        %dma_wait3A_165 = arith.constant 0 : i32
        %dma_wait3A_166 = tpu.memref_slice %arg3[%add3A_15, %dma_wait3A_164, %dma_wait3A_165] : memref<3125x16x32xi32, #tpu.memory_space<hbm>> -> memref<1x16x32xi32, #tpu.memory_space<hbm>>
        %dma_wait3A_167 = tpu.memref_squeeze %dma_wait3A_166 : memref<1x16x32xi32, #tpu.memory_space<hbm>> -> memref<16x32xi32, #tpu.memory_space<hbm>>
        tpu.wait_dma2 semaphore(%run_scoped3A : memref<!tpu.dma_semaphore, #tpu.memory_space<semaphore_mem>>) src(%dma_wait3A_167 : memref<16x32xi32, #tpu.memory_space<hbm>>) dst(%arg6 : memref<16x32xi32, #tpu.memory_space<vmem>>)
        tpu.yield
      }) : () -> ()
      %get3A = arith.constant 0 : i32
      %get3A_16 = arith.index_cast %get3A : i32 to index
      %get3A_17 = arith.constant 0 : index
      %get3A_18 = tpu.vector_load %arg6[%get3A_16, %get3A_17] {strides = array<i32>} : memref<16x32xi32, #tpu.memory_space<vmem>>, vector<16xi32>,
      %get3A_19 = arith.constant 1 : i32
      %get3A_20 = arith.index_cast %get3A_19 : i32 to index
      %get3A_21 = arith.constant 0 : index
      %get3A_22 = tpu.vector_load %arg6[%get3A_20, %get3A_21] {strides = array<i32>} : memref<16x32xi32, #tpu.memory_space<vmem>>, vector<16xi32>,
      %get3A_23 = arith.constant 2 : i32
      %get3A_24 = arith.index_cast %get3A_23 : i32 to index
      %get3A_25 = arith.constant 0 : index
      %get3A_26 = tpu.vector_load %arg6[%get3A_24, %get3A_25] {strides = array<i32>} : memref<16x32xi32, #tpu.memory_space<vmem>>, vector<16xi32>,
      %get3A_27 = arith.constant 3 : i32
      %get3A_28 = arith.index_cast %get3A_27 : i32 to index
      %get3A_29 = arith.constant 0 : index
      %get3A_30 = tpu.vector_load %arg6[%get3A_28, %get3A_29] {strides = array<i32>} : memref<16x32xi32, #tpu.memory_space<vmem>>, vector<16xi32>,
      %get3A_31 = arith.constant 4 : i32
      %get3A_32 = arith.index_cast %get3A_31 : i32 to index
      %get3A_33 = arith.constant 0 : index
      %get3A_34 = tpu.vector_load %arg6[%get3A_32, %get3A_33] {strides = array<i32>} : memref<16x32xi32, #tpu.memory_space<vmem>>, vector<16xi32>,
      %get3A_35 = arith.constant 5 : i32
      %get3A_36 = arith.index_cast %get3A_35 : i32 to index
      %get3A_37 = arith.constant 0 : index
      %get3A_38 = tpu.vector_load %arg6[%get3A_36, %get3A_37] {strides = array<i32>} : memref<16x32xi32, #tpu.memory_space<vmem>>, vector<16xi32>,
      %get3A_39 = arith.constant 6 : i32
      %get3A_40 = arith.index_cast %get3A_39 : i32 to index
      %get3A_41 = arith.constant 0 : index
      %get3A_42 = tpu.vector_load %arg6[%get3A_40, %get3A_41] {strides = array<i32>} : memref<16x32xi32, #tpu.memory_space<vmem>>, vector<16xi32>,
      %get3A_43 = arith.constant 7 : i32
      %get3A_44 = arith.index_cast %get3A_43 : i32 to index
      %get3A_45 = arith.constant 0 : index
      %get3A_46 = tpu.vector_load %arg6[%get3A_44, %get3A_45] {strides = array<i32>} : memref<16x32xi32, #tpu.memory_space<vmem>>, vector<16xi32>,
      %get3A_47 = arith.constant 8 : i32
      %get3A_48 = arith.index_cast %get3A_47 : i32 to index
      %get3A_49 = arith.constant 0 : index
      %get3A_50 = tpu.vector_load %arg6[%get3A_48, %get3A_49] {strides = array<i32>} : memref<16x32xi32, #tpu.memory_space<vmem>>, vector<16xi32>,
      %mul3A_51 = arith.constant 257 : i32
      %mul3A_52 = vector.broadcast %mul3A_51 : i32 to vector<16xi32>
      %mul3A_53 = arith.muli %get3A_18, %mul3A_52 : vector<16xi32>
      %mul3A_54 = arith.constant 257 : i32
      %mul3A_55 = vector.broadcast %mul3A_54 : i32 to vector<16xi32>
      %mul3A_56 = arith.muli %get3A_22, %mul3A_55 : vector<16xi32>
      %mul3A_57 = arith.constant 257 : i32
      %mul3A_58 = vector.broadcast %mul3A_57 : i32 to vector<16xi32>
      %mul3A_59 = arith.muli %get3A_26, %mul3A_58 : vector<16xi32>
      %mul3A_60 = arith.constant 257 : i32
      %mul3A_61 = vector.broadcast %mul3A_60 : i32 to vector<16xi32>
      %mul3A_62 = arith.muli %get3A_30, %mul3A_61 : vector<16xi32>
      %mul3A_63 = arith.constant 257 : i32
      %mul3A_64 = vector.broadcast %mul3A_63 : i32 to vector<16xi32>
      %mul3A_65 = arith.muli %get3A_34, %mul3A_64 : vector<16xi32>
      %mul3A_66 = arith.constant 257 : i32
      %mul3A_67 = vector.broadcast %mul3A_66 : i32 to vector<16xi32>
      %mul3A_68 = arith.muli %get3A_38, %mul3A_67 : vector<16xi32>
      %mul3A_69 = arith.constant 257 : i32
      %mul3A_70 = vector.broadcast %mul3A_69 : i32 to vector<16xi32>
      %mul3A_71 = arith.muli %get3A_42, %mul3A_70 : vector<16xi32>
      %mul3A_72 = arith.constant 257 : i32
      %mul3A_73 = vector.broadcast %mul3A_72 : i32 to vector<16xi32>
      %mul3A_74 = arith.muli %get3A_46, %mul3A_73 : vector<16xi32>
      %mul3A_75 = arith.constant 257 : i32
      %mul3A_76 = vector.broadcast %mul3A_75 : i32 to vector<16xi32>
      %mul3A_77 = arith.muli %get3A_50, %mul3A_76 : vector<16xi32>
      %add3A_78 = arith.constant 0 : i32
      %add3A_79 = vector.broadcast %add3A_78 : i32 to vector<16xi32>
      %add3A_80 = arith.addi %iota3A, %add3A_79 : vector<16xi32>
      %parallel_loop3A = arith.constant 0 : i32
      %parallel_loop3A_81 = arith.constant 256 : i32
      %parallel_loop3A_82 = arith.constant 1 : i32
      scf.for %parallel_loop3A_154 = %parallel_loop3A to %parallel_loop3A_81 step %parallel_loop3A_82  : i32 {
        %parallel_loop3A_155 = arith.constant -16 : i32
        %parallel_loop3A_156 = arith.andi %parallel_loop3A_154, %parallel_loop3A_155 : i32
        %parallel_loop3A_157 = vector.broadcast %parallel_loop3A_154 : i32 to vector<16xi32>
        %parallel_loop3A_158 = arith.addi %iota3A, %parallel_loop3A_157 : vector<16xi32>
        %parallel_loop3A_159 = arith.constant 15 : i32
        %parallel_loop3A_160 = vector.broadcast %parallel_loop3A_159 : i32 to vector<16xi32>
        %parallel_loop3A_161 = arith.andi %parallel_loop3A_158, %parallel_loop3A_160 : vector<16xi32>
        %parallel_loop3A_162 = vector.broadcast %parallel_loop3A_156 : i32 to vector<16xi32>
        %parallel_loop3A_163 = arith.addi %parallel_loop3A_162, %parallel_loop3A_161 : vector<16xi32>
        %parallel_loop3A_164 = arith.addi %mul3A_53, %parallel_loop3A_163 : vector<16xi32>
        %parallel_loop3A_165 = tpu.vector_load_idx %arg5[%parallel_loop3A_164] : memref<45232xf32, #tpu.memory_space<vmem>>[vector<16xi32>], vector<16xf32>,
        %parallel_loop3A_166 = arith.addi %mul3A_56, %parallel_loop3A_163 : vector<16xi32>
        %parallel_loop3A_167 = tpu.vector_load_idx %arg5[%parallel_loop3A_166] : memref<45232xf32, #tpu.memory_space<vmem>>[vector<16xi32>], vector<16xf32>,
        %parallel_loop3A_168 = arith.addi %mul3A_59, %parallel_loop3A_163 : vector<16xi32>
        %parallel_loop3A_169 = tpu.vector_load_idx %arg5[%parallel_loop3A_168] : memref<45232xf32, #tpu.memory_space<vmem>>[vector<16xi32>], vector<16xf32>,
        %parallel_loop3A_170 = arith.addi %mul3A_62, %parallel_loop3A_163 : vector<16xi32>
        %parallel_loop3A_171 = tpu.vector_load_idx %arg5[%parallel_loop3A_170] : memref<45232xf32, #tpu.memory_space<vmem>>[vector<16xi32>], vector<16xf32>,
        %parallel_loop3A_172 = arith.addi %mul3A_65, %parallel_loop3A_163 : vector<16xi32>
        %parallel_loop3A_173 = tpu.vector_load_idx %arg5[%parallel_loop3A_172] : memref<45232xf32, #tpu.memory_space<vmem>>[vector<16xi32>], vector<16xf32>,
        %parallel_loop3A_174 = arith.addi %mul3A_68, %parallel_loop3A_163 : vector<16xi32>
        %parallel_loop3A_175 = tpu.vector_load_idx %arg5[%parallel_loop3A_174] : memref<45232xf32, #tpu.memory_space<vmem>>[vector<16xi32>], vector<16xf32>,
        %parallel_loop3A_176 = arith.addi %mul3A_71, %parallel_loop3A_163 : vector<16xi32>
        %parallel_loop3A_177 = tpu.vector_load_idx %arg5[%parallel_loop3A_176] : memref<45232xf32, #tpu.memory_space<vmem>>[vector<16xi32>], vector<16xf32>,
        %parallel_loop3A_178 = arith.addi %mul3A_74, %parallel_loop3A_163 : vector<16xi32>
        %parallel_loop3A_179 = tpu.vector_load_idx %arg5[%parallel_loop3A_178] : memref<45232xf32, #tpu.memory_space<vmem>>[vector<16xi32>], vector<16xf32>,
        %parallel_loop3A_180 = arith.addi %mul3A_77, %parallel_loop3A_163 : vector<16xi32>
        %parallel_loop3A_181 = tpu.vector_load_idx %arg5[%parallel_loop3A_180] : memref<45232xf32, #tpu.memory_space<vmem>>[vector<16xi32>], vector<16xf32>,
        %parallel_loop3A_182 = arith.addf %parallel_loop3A_165, %parallel_loop3A_167 : vector<16xf32>
        %parallel_loop3A_183 = arith.addf %parallel_loop3A_169, %parallel_loop3A_171 : vector<16xf32>
        %parallel_loop3A_184 = arith.addf %parallel_loop3A_173, %parallel_loop3A_175 : vector<16xf32>
        %parallel_loop3A_185 = arith.addf %parallel_loop3A_177, %parallel_loop3A_179 : vector<16xf32>
        %parallel_loop3A_186 = arith.addf %parallel_loop3A_182, %parallel_loop3A_183 : vector<16xf32>
        %parallel_loop3A_187 = arith.addf %parallel_loop3A_184, %parallel_loop3A_185 : vector<16xf32>
        %parallel_loop3A_188 = arith.addf %parallel_loop3A_186, %parallel_loop3A_187 : vector<16xf32>
        %parallel_loop3A_189 = arith.addf %parallel_loop3A_188, %parallel_loop3A_181 : vector<16xf32>
        tpu.vector_store_idx %arg7[%add3A_80, %parallel_loop3A_163], %parallel_loop3A_189 : memref<32x256xf32, #tpu.memory_space<vmem>>[vector<16xi32>, vector<16xi32>], vector<16xf32>,
      } {sc.loop_unroll_factor = 4 : i64, sc.parallel_access}
      %get3A_83 = arith.constant 0 : i32
      %get3A_84 = arith.index_cast %get3A_83 : i32 to index
      %get3A_85 = arith.constant 16 : index
      %get3A_86 = tpu.vector_load %arg6[%get3A_84, %get3A_85] {strides = array<i32>} : memref<16x32xi32, #tpu.memory_space<vmem>>, vector<16xi32>,
      %get3A_87 = arith.constant 1 : i32
      %get3A_88 = arith.index_cast %get3A_87 : i32 to index
      %get3A_89 = arith.constant 16 : index
      %get3A_90 = tpu.vector_load %arg6[%get3A_88, %get3A_89] {strides = array<i32>} : memref<16x32xi32, #tpu.memory_space<vmem>>, vector<16xi32>,
      %get3A_91 = arith.constant 2 : i32
      %get3A_92 = arith.index_cast %get3A_91 : i32 to index
      %get3A_93 = arith.constant 16 : index
      %get3A_94 = tpu.vector_load %arg6[%get3A_92, %get3A_93] {strides = array<i32>} : memref<16x32xi32, #tpu.memory_space<vmem>>, vector<16xi32>,
      %get3A_95 = arith.constant 3 : i32
      %get3A_96 = arith.index_cast %get3A_95 : i32 to index
      %get3A_97 = arith.constant 16 : index
      %get3A_98 = tpu.vector_load %arg6[%get3A_96, %get3A_97] {strides = array<i32>} : memref<16x32xi32, #tpu.memory_space<vmem>>, vector<16xi32>,
      %get3A_99 = arith.constant 4 : i32
      %get3A_100 = arith.index_cast %get3A_99 : i32 to index
      %get3A_101 = arith.constant 16 : index
      %get3A_102 = tpu.vector_load %arg6[%get3A_100, %get3A_101] {strides = array<i32>} : memref<16x32xi32, #tpu.memory_space<vmem>>, vector<16xi32>,
      %get3A_103 = arith.constant 5 : i32
      %get3A_104 = arith.index_cast %get3A_103 : i32 to index
      %get3A_105 = arith.constant 16 : index
      %get3A_106 = tpu.vector_load %arg6[%get3A_104, %get3A_105] {strides = array<i32>} : memref<16x32xi32, #tpu.memory_space<vmem>>, vector<16xi32>,
      %get3A_107 = arith.constant 6 : i32
      %get3A_108 = arith.index_cast %get3A_107 : i32 to index
      %get3A_109 = arith.constant 16 : index
      %get3A_110 = tpu.vector_load %arg6[%get3A_108, %get3A_109] {strides = array<i32>} : memref<16x32xi32, #tpu.memory_space<vmem>>, vector<16xi32>,
      %get3A_111 = arith.constant 7 : i32
      %get3A_112 = arith.index_cast %get3A_111 : i32 to index
      %get3A_113 = arith.constant 16 : index
      %get3A_114 = tpu.vector_load %arg6[%get3A_112, %get3A_113] {strides = array<i32>} : memref<16x32xi32, #tpu.memory_space<vmem>>, vector<16xi32>,
      %get3A_115 = arith.constant 8 : i32
      %get3A_116 = arith.index_cast %get3A_115 : i32 to index
      %get3A_117 = arith.constant 16 : index
      %get3A_118 = tpu.vector_load %arg6[%get3A_116, %get3A_117] {strides = array<i32>} : memref<16x32xi32, #tpu.memory_space<vmem>>, vector<16xi32>,
      %mul3A_119 = arith.constant 257 : i32
      %mul3A_120 = vector.broadcast %mul3A_119 : i32 to vector<16xi32>
      %mul3A_121 = arith.muli %get3A_86, %mul3A_120 : vector<16xi32>
      %mul3A_122 = arith.constant 257 : i32
      %mul3A_123 = vector.broadcast %mul3A_122 : i32 to vector<16xi32>
      %mul3A_124 = arith.muli %get3A_90, %mul3A_123 : vector<16xi32>
      %mul3A_125 = arith.constant 257 : i32
      %mul3A_126 = vector.broadcast %mul3A_125 : i32 to vector<16xi32>
      %mul3A_127 = arith.muli %get3A_94, %mul3A_126 : vector<16xi32>
      %mul3A_128 = arith.constant 257 : i32
      %mul3A_129 = vector.broadcast %mul3A_128 : i32 to vector<16xi32>
      %mul3A_130 = arith.muli %get3A_98, %mul3A_129 : vector<16xi32>
      %mul3A_131 = arith.constant 257 : i32
      %mul3A_132 = vector.broadcast %mul3A_131 : i32 to vector<16xi32>
      %mul3A_133 = arith.muli %get3A_102, %mul3A_132 : vector<16xi32>
      %mul3A_134 = arith.constant 257 : i32
      %mul3A_135 = vector.broadcast %mul3A_134 : i32 to vector<16xi32>
      %mul3A_136 = arith.muli %get3A_106, %mul3A_135 : vector<16xi32>
      %mul3A_137 = arith.constant 257 : i32
      %mul3A_138 = vector.broadcast %mul3A_137 : i32 to vector<16xi32>
      %mul3A_139 = arith.muli %get3A_110, %mul3A_138 : vector<16xi32>
      %mul3A_140 = arith.constant 257 : i32
      %mul3A_141 = vector.broadcast %mul3A_140 : i32 to vector<16xi32>
      %mul3A_142 = arith.muli %get3A_114, %mul3A_141 : vector<16xi32>
      %mul3A_143 = arith.constant 257 : i32
      %mul3A_144 = vector.broadcast %mul3A_143 : i32 to vector<16xi32>
      %mul3A_145 = arith.muli %get3A_118, %mul3A_144 : vector<16xi32>
      %add3A_146 = arith.constant 16 : i32
      %add3A_147 = vector.broadcast %add3A_146 : i32 to vector<16xi32>
      %add3A_148 = arith.addi %iota3A, %add3A_147 : vector<16xi32>
      %parallel_loop3A_149 = arith.constant 0 : i32
      %parallel_loop3A_150 = arith.constant 256 : i32
      %parallel_loop3A_151 = arith.constant 1 : i32
      scf.for %parallel_loop3A_154 = %parallel_loop3A_149 to %parallel_loop3A_150 step %parallel_loop3A_151  : i32 {
        %parallel_loop3A_155 = arith.constant -16 : i32
        %parallel_loop3A_156 = arith.andi %parallel_loop3A_154, %parallel_loop3A_155 : i32
        %parallel_loop3A_157 = vector.broadcast %parallel_loop3A_154 : i32 to vector<16xi32>
        %parallel_loop3A_158 = arith.addi %iota3A, %parallel_loop3A_157 : vector<16xi32>
        %parallel_loop3A_159 = arith.constant 15 : i32
        %parallel_loop3A_160 = vector.broadcast %parallel_loop3A_159 : i32 to vector<16xi32>
        %parallel_loop3A_161 = arith.andi %parallel_loop3A_158, %parallel_loop3A_160 : vector<16xi32>
        %parallel_loop3A_162 = vector.broadcast %parallel_loop3A_156 : i32 to vector<16xi32>
        %parallel_loop3A_163 = arith.addi %parallel_loop3A_162, %parallel_loop3A_161 : vector<16xi32>
        %parallel_loop3A_164 = arith.addi %mul3A_121, %parallel_loop3A_163 : vector<16xi32>
        %parallel_loop3A_165 = tpu.vector_load_idx %arg5[%parallel_loop3A_164] : memref<45232xf32, #tpu.memory_space<vmem>>[vector<16xi32>], vector<16xf32>,
        %parallel_loop3A_166 = arith.addi %mul3A_124, %parallel_loop3A_163 : vector<16xi32>
        %parallel_loop3A_167 = tpu.vector_load_idx %arg5[%parallel_loop3A_166] : memref<45232xf32, #tpu.memory_space<vmem>>[vector<16xi32>], vector<16xf32>,
        %parallel_loop3A_168 = arith.addi %mul3A_127, %parallel_loop3A_163 : vector<16xi32>
        %parallel_loop3A_169 = tpu.vector_load_idx %arg5[%parallel_loop3A_168] : memref<45232xf32, #tpu.memory_space<vmem>>[vector<16xi32>], vector<16xf32>,
        %parallel_loop3A_170 = arith.addi %mul3A_130, %parallel_loop3A_163 : vector<16xi32>
        %parallel_loop3A_171 = tpu.vector_load_idx %arg5[%parallel_loop3A_170] : memref<45232xf32, #tpu.memory_space<vmem>>[vector<16xi32>], vector<16xf32>,
        %parallel_loop3A_172 = arith.addi %mul3A_133, %parallel_loop3A_163 : vector<16xi32>
        %parallel_loop3A_173 = tpu.vector_load_idx %arg5[%parallel_loop3A_172] : memref<45232xf32, #tpu.memory_space<vmem>>[vector<16xi32>], vector<16xf32>,
        %parallel_loop3A_174 = arith.addi %mul3A_136, %parallel_loop3A_163 : vector<16xi32>
        %parallel_loop3A_175 = tpu.vector_load_idx %arg5[%parallel_loop3A_174] : memref<45232xf32, #tpu.memory_space<vmem>>[vector<16xi32>], vector<16xf32>,
        %parallel_loop3A_176 = arith.addi %mul3A_139, %parallel_loop3A_163 : vector<16xi32>
        %parallel_loop3A_177 = tpu.vector_load_idx %arg5[%parallel_loop3A_176] : memref<45232xf32, #tpu.memory_space<vmem>>[vector<16xi32>], vector<16xf32>,
        %parallel_loop3A_178 = arith.addi %mul3A_142, %parallel_loop3A_163 : vector<16xi32>
        %parallel_loop3A_179 = tpu.vector_load_idx %arg5[%parallel_loop3A_178] : memref<45232xf32, #tpu.memory_space<vmem>>[vector<16xi32>], vector<16xf32>,
        %parallel_loop3A_180 = arith.addi %mul3A_145, %parallel_loop3A_163 : vector<16xi32>
        %parallel_loop3A_181 = tpu.vector_load_idx %arg5[%parallel_loop3A_180] : memref<45232xf32, #tpu.memory_space<vmem>>[vector<16xi32>], vector<16xf32>,
        %parallel_loop3A_182 = arith.addf %parallel_loop3A_165, %parallel_loop3A_167 : vector<16xf32>
        %parallel_loop3A_183 = arith.addf %parallel_loop3A_169, %parallel_loop3A_171 : vector<16xf32>
        %parallel_loop3A_184 = arith.addf %parallel_loop3A_173, %parallel_loop3A_175 : vector<16xf32>
        %parallel_loop3A_185 = arith.addf %parallel_loop3A_177, %parallel_loop3A_179 : vector<16xf32>
        %parallel_loop3A_186 = arith.addf %parallel_loop3A_182, %parallel_loop3A_183 : vector<16xf32>
        %parallel_loop3A_187 = arith.addf %parallel_loop3A_184, %parallel_loop3A_185 : vector<16xf32>
        %parallel_loop3A_188 = arith.addf %parallel_loop3A_186, %parallel_loop3A_187 : vector<16xf32>
        %parallel_loop3A_189 = arith.addf %parallel_loop3A_188, %parallel_loop3A_181 : vector<16xf32>
        tpu.vector_store_idx %arg7[%add3A_148, %parallel_loop3A_163], %parallel_loop3A_189 : memref<32x256xf32, #tpu.memory_space<vmem>>[vector<16xi32>, vector<16xi32>], vector<16xf32>,
      } {sc.loop_unroll_factor = 4 : i64, sc.parallel_access}
      %mul3A_152 = arith.constant 32 : i32
      %mul3A_153 = arith.muli %add3A_15, %mul3A_152 : i32
      "tpu.region"() ({
        %run_scoped3A = tpu.sem_alloc : memref<!tpu.dma_semaphore, #tpu.memory_space<semaphore_mem>>
        %dma_start3A = arith.constant 0 : i32
        %dma_start3A_154 = tpu.memref_slice %arg4[%mul3A_153, %dma_start3A] : memref<100000x256xf32, #tpu.memory_space<hbm>> -> memref<32x256xf32, #tpu.memory_space<hbm>>
        %dma_start3A_155 = arith.constant 0 : i32
        %dma_start3A_156 = tpu.memref_slice %arg4[%mul3A_153, %dma_start3A_155] : memref<100000x256xf32, #tpu.memory_space<hbm>> -> memref<32x256xf32, #tpu.memory_space<hbm>>
        tpu.enqueue_dma source(%arg7 : memref<32x256xf32, #tpu.memory_space<vmem>>) target(%dma_start3A_156 : memref<32x256xf32, #tpu.memory_space<hbm>>) target_semaphore(%run_scoped3A : memref<!tpu.dma_semaphore, #tpu.memory_space<semaphore_mem>>)
        %dma_wait3A = arith.constant 0 : i32
        %dma_wait3A_157 = tpu.memref_slice %arg4[%mul3A_153, %dma_wait3A] : memref<100000x256xf32, #tpu.memory_space<hbm>> -> memref<32x256xf32, #tpu.memory_space<hbm>>
        %dma_wait3A_158 = arith.constant 0 : i32
        %dma_wait3A_159 = tpu.memref_slice %arg4[%mul3A_153, %dma_wait3A_158] : memref<100000x256xf32, #tpu.memory_space<hbm>> -> memref<32x256xf32, #tpu.memory_space<hbm>>
        tpu.wait_dma2 semaphore(%run_scoped3A : memref<!tpu.dma_semaphore, #tpu.memory_space<semaphore_mem>>) src(%arg7 : memref<32x256xf32, #tpu.memory_space<vmem>>) dst(%dma_wait3A_159 : memref<32x256xf32, #tpu.memory_space<hbm>>)
        tpu.yield
      }) : () -> ()
    }
    %while3A_11 = arith.constant 1 : i32
    scf.for %while3A_12 = %while3A_9 to %while3A_5 step %while3A_11  : i32 {
      %mul3A_13 = arith.constant 32 : i32
      %mul3A_14 = arith.muli %while3A_12, %mul3A_13 : i32
      %add3A_15 = arith.addi %add3A, %mul3A_14 : i32
      %iota3A = tpu.iota {dimensions = array<i32: 0>} : vector<16xi32>
      "tpu.region"() ({
        %run_scoped3A = tpu.sem_alloc : memref<!tpu.dma_semaphore, #tpu.memory_space<semaphore_mem>>
        %dma_start3A = arith.constant 0 : i32
        %dma_start3A_154 = arith.constant 0 : i32
        %dma_start3A_155 = tpu.memref_slice %arg3[%add3A_15, %dma_start3A, %dma_start3A_154] : memref<3125x16x32xi32, #tpu.memory_space<hbm>> -> memref<1x16x32xi32, #tpu.memory_space<hbm>>
        %dma_start3A_156 = tpu.memref_squeeze %dma_start3A_155 : memref<1x16x32xi32, #tpu.memory_space<hbm>> -> memref<16x32xi32, #tpu.memory_space<hbm>>
        %dma_start3A_157 = arith.constant 0 : i32
        %dma_start3A_158 = arith.constant 0 : i32
        %dma_start3A_159 = tpu.memref_slice %arg3[%add3A_15, %dma_start3A_157, %dma_start3A_158] : memref<3125x16x32xi32, #tpu.memory_space<hbm>> -> memref<1x16x32xi32, #tpu.memory_space<hbm>>
        %dma_start3A_160 = tpu.memref_squeeze %dma_start3A_159 : memref<1x16x32xi32, #tpu.memory_space<hbm>> -> memref<16x32xi32, #tpu.memory_space<hbm>>
        tpu.enqueue_dma source(%dma_start3A_160 : memref<16x32xi32, #tpu.memory_space<hbm>>) target(%arg6 : memref<16x32xi32, #tpu.memory_space<vmem>>) target_semaphore(%run_scoped3A : memref<!tpu.dma_semaphore, #tpu.memory_space<semaphore_mem>>)
        %dma_wait3A = arith.constant 0 : i32
        %dma_wait3A_161 = arith.constant 0 : i32
        %dma_wait3A_162 = tpu.memref_slice %arg3[%add3A_15, %dma_wait3A, %dma_wait3A_161] : memref<3125x16x32xi32, #tpu.memory_space<hbm>> -> memref<1x16x32xi32, #tpu.memory_space<hbm>>
        %dma_wait3A_163 = tpu.memref_squeeze %dma_wait3A_162 : memref<1x16x32xi32, #tpu.memory_space<hbm>> -> memref<16x32xi32, #tpu.memory_space<hbm>>
        %dma_wait3A_164 = arith.constant 0 : i32
        %dma_wait3A_165 = arith.constant 0 : i32
        %dma_wait3A_166 = tpu.memref_slice %arg3[%add3A_15, %dma_wait3A_164, %dma_wait3A_165] : memref<3125x16x32xi32, #tpu.memory_space<hbm>> -> memref<1x16x32xi32, #tpu.memory_space<hbm>>
        %dma_wait3A_167 = tpu.memref_squeeze %dma_wait3A_166 : memref<1x16x32xi32, #tpu.memory_space<hbm>> -> memref<16x32xi32, #tpu.memory_space<hbm>>
        tpu.wait_dma2 semaphore(%run_scoped3A : memref<!tpu.dma_semaphore, #tpu.memory_space<semaphore_mem>>) src(%dma_wait3A_167 : memref<16x32xi32, #tpu.memory_space<hbm>>) dst(%arg6 : memref<16x32xi32, #tpu.memory_space<vmem>>)
        tpu.yield
      }) : () -> ()
      %get3A = arith.constant 0 : i32
      %get3A_16 = arith.index_cast %get3A : i32 to index
      %get3A_17 = arith.constant 0 : index
      %get3A_18 = tpu.vector_load %arg6[%get3A_16, %get3A_17] {strides = array<i32>} : memref<16x32xi32, #tpu.memory_space<vmem>>, vector<16xi32>,
      %get3A_19 = arith.constant 1 : i32
      %get3A_20 = arith.index_cast %get3A_19 : i32 to index
      %get3A_21 = arith.constant 0 : index
      %get3A_22 = tpu.vector_load %arg6[%get3A_20, %get3A_21] {strides = array<i32>} : memref<16x32xi32, #tpu.memory_space<vmem>>, vector<16xi32>,
      %get3A_23 = arith.constant 2 : i32
      %get3A_24 = arith.index_cast %get3A_23 : i32 to index
      %get3A_25 = arith.constant 0 : index
      %get3A_26 = tpu.vector_load %arg6[%get3A_24, %get3A_25] {strides = array<i32>} : memref<16x32xi32, #tpu.memory_space<vmem>>, vector<16xi32>,
      %get3A_27 = arith.constant 3 : i32
      %get3A_28 = arith.index_cast %get3A_27 : i32 to index
      %get3A_29 = arith.constant 0 : index
      %get3A_30 = tpu.vector_load %arg6[%get3A_28, %get3A_29] {strides = array<i32>} : memref<16x32xi32, #tpu.memory_space<vmem>>, vector<16xi32>,
      %get3A_31 = arith.constant 4 : i32
      %get3A_32 = arith.index_cast %get3A_31 : i32 to index
      %get3A_33 = arith.constant 0 : index
      %get3A_34 = tpu.vector_load %arg6[%get3A_32, %get3A_33] {strides = array<i32>} : memref<16x32xi32, #tpu.memory_space<vmem>>, vector<16xi32>,
      %get3A_35 = arith.constant 5 : i32
      %get3A_36 = arith.index_cast %get3A_35 : i32 to index
      %get3A_37 = arith.constant 0 : index
      %get3A_38 = tpu.vector_load %arg6[%get3A_36, %get3A_37] {strides = array<i32>} : memref<16x32xi32, #tpu.memory_space<vmem>>, vector<16xi32>,
      %get3A_39 = arith.constant 6 : i32
      %get3A_40 = arith.index_cast %get3A_39 : i32 to index
      %get3A_41 = arith.constant 0 : index
      %get3A_42 = tpu.vector_load %arg6[%get3A_40, %get3A_41] {strides = array<i32>} : memref<16x32xi32, #tpu.memory_space<vmem>>, vector<16xi32>,
      %get3A_43 = arith.constant 7 : i32
      %get3A_44 = arith.index_cast %get3A_43 : i32 to index
      %get3A_45 = arith.constant 0 : index
      %get3A_46 = tpu.vector_load %arg6[%get3A_44, %get3A_45] {strides = array<i32>} : memref<16x32xi32, #tpu.memory_space<vmem>>, vector<16xi32>,
      %get3A_47 = arith.constant 8 : i32
      %get3A_48 = arith.index_cast %get3A_47 : i32 to index
      %get3A_49 = arith.constant 0 : index
      %get3A_50 = tpu.vector_load %arg6[%get3A_48, %get3A_49] {strides = array<i32>} : memref<16x32xi32, #tpu.memory_space<vmem>>, vector<16xi32>,
      %mul3A_51 = arith.constant 257 : i32
      %mul3A_52 = vector.broadcast %mul3A_51 : i32 to vector<16xi32>
      %mul3A_53 = arith.muli %get3A_18, %mul3A_52 : vector<16xi32>
      %mul3A_54 = arith.constant 257 : i32
      %mul3A_55 = vector.broadcast %mul3A_54 : i32 to vector<16xi32>
      %mul3A_56 = arith.muli %get3A_22, %mul3A_55 : vector<16xi32>
      %mul3A_57 = arith.constant 257 : i32
      %mul3A_58 = vector.broadcast %mul3A_57 : i32 to vector<16xi32>
      %mul3A_59 = arith.muli %get3A_26, %mul3A_58 : vector<16xi32>
      %mul3A_60 = arith.constant 257 : i32
      %mul3A_61 = vector.broadcast %mul3A_60 : i32 to vector<16xi32>
      %mul3A_62 = arith.muli %get3A_30, %mul3A_61 : vector<16xi32>
      %mul3A_63 = arith.constant 257 : i32
      %mul3A_64 = vector.broadcast %mul3A_63 : i32 to vector<16xi32>
      %mul3A_65 = arith.muli %get3A_34, %mul3A_64 : vector<16xi32>
      %mul3A_66 = arith.constant 257 : i32
      %mul3A_67 = vector.broadcast %mul3A_66 : i32 to vector<16xi32>
      %mul3A_68 = arith.muli %get3A_38, %mul3A_67 : vector<16xi32>
      %mul3A_69 = arith.constant 257 : i32
      %mul3A_70 = vector.broadcast %mul3A_69 : i32 to vector<16xi32>
      %mul3A_71 = arith.muli %get3A_42, %mul3A_70 : vector<16xi32>
      %mul3A_72 = arith.constant 257 : i32
      %mul3A_73 = vector.broadcast %mul3A_72 : i32 to vector<16xi32>
      %mul3A_74 = arith.muli %get3A_46, %mul3A_73 : vector<16xi32>
      %mul3A_75 = arith.constant 257 : i32
      %mul3A_76 = vector.broadcast %mul3A_75 : i32 to vector<16xi32>
      %mul3A_77 = arith.muli %get3A_50, %mul3A_76 : vector<16xi32>
      %add3A_78 = arith.constant 0 : i32
      %add3A_79 = vector.broadcast %add3A_78 : i32 to vector<16xi32>
      %add3A_80 = arith.addi %iota3A, %add3A_79 : vector<16xi32>
      %parallel_loop3A = arith.constant 0 : i32
      %parallel_loop3A_81 = arith.constant 256 : i32
      %parallel_loop3A_82 = arith.constant 1 : i32
      scf.for %parallel_loop3A_154 = %parallel_loop3A to %parallel_loop3A_81 step %parallel_loop3A_82  : i32 {
        %parallel_loop3A_155 = arith.constant -16 : i32
        %parallel_loop3A_156 = arith.andi %parallel_loop3A_154, %parallel_loop3A_155 : i32
        %parallel_loop3A_157 = vector.broadcast %parallel_loop3A_154 : i32 to vector<16xi32>
        %parallel_loop3A_158 = arith.addi %iota3A, %parallel_loop3A_157 : vector<16xi32>
        %parallel_loop3A_159 = arith.constant 15 : i32
        %parallel_loop3A_160 = vector.broadcast %parallel_loop3A_159 : i32 to vector<16xi32>
        %parallel_loop3A_161 = arith.andi %parallel_loop3A_158, %parallel_loop3A_160 : vector<16xi32>
        %parallel_loop3A_162 = vector.broadcast %parallel_loop3A_156 : i32 to vector<16xi32>
        %parallel_loop3A_163 = arith.addi %parallel_loop3A_162, %parallel_loop3A_161 : vector<16xi32>
        %parallel_loop3A_164 = arith.addi %mul3A_53, %parallel_loop3A_163 : vector<16xi32>
        %parallel_loop3A_165 = tpu.vector_load_idx %arg5[%parallel_loop3A_164] : memref<45232xf32, #tpu.memory_space<vmem>>[vector<16xi32>], vector<16xf32>,
        %parallel_loop3A_166 = arith.addi %mul3A_56, %parallel_loop3A_163 : vector<16xi32>
        %parallel_loop3A_167 = tpu.vector_load_idx %arg5[%parallel_loop3A_166] : memref<45232xf32, #tpu.memory_space<vmem>>[vector<16xi32>], vector<16xf32>,
        %parallel_loop3A_168 = arith.addi %mul3A_59, %parallel_loop3A_163 : vector<16xi32>
        %parallel_loop3A_169 = tpu.vector_load_idx %arg5[%parallel_loop3A_168] : memref<45232xf32, #tpu.memory_space<vmem>>[vector<16xi32>], vector<16xf32>,
        %parallel_loop3A_170 = arith.addi %mul3A_62, %parallel_loop3A_163 : vector<16xi32>
        %parallel_loop3A_171 = tpu.vector_load_idx %arg5[%parallel_loop3A_170] : memref<45232xf32, #tpu.memory_space<vmem>>[vector<16xi32>], vector<16xf32>,
        %parallel_loop3A_172 = arith.addi %mul3A_65, %parallel_loop3A_163 : vector<16xi32>
        %parallel_loop3A_173 = tpu.vector_load_idx %arg5[%parallel_loop3A_172] : memref<45232xf32, #tpu.memory_space<vmem>>[vector<16xi32>], vector<16xf32>,
        %parallel_loop3A_174 = arith.addi %mul3A_68, %parallel_loop3A_163 : vector<16xi32>
        %parallel_loop3A_175 = tpu.vector_load_idx %arg5[%parallel_loop3A_174] : memref<45232xf32, #tpu.memory_space<vmem>>[vector<16xi32>], vector<16xf32>,
        %parallel_loop3A_176 = arith.addi %mul3A_71, %parallel_loop3A_163 : vector<16xi32>
        %parallel_loop3A_177 = tpu.vector_load_idx %arg5[%parallel_loop3A_176] : memref<45232xf32, #tpu.memory_space<vmem>>[vector<16xi32>], vector<16xf32>,
        %parallel_loop3A_178 = arith.addi %mul3A_74, %parallel_loop3A_163 : vector<16xi32>
        %parallel_loop3A_179 = tpu.vector_load_idx %arg5[%parallel_loop3A_178] : memref<45232xf32, #tpu.memory_space<vmem>>[vector<16xi32>], vector<16xf32>,
        %parallel_loop3A_180 = arith.addi %mul3A_77, %parallel_loop3A_163 : vector<16xi32>
        %parallel_loop3A_181 = tpu.vector_load_idx %arg5[%parallel_loop3A_180] : memref<45232xf32, #tpu.memory_space<vmem>>[vector<16xi32>], vector<16xf32>,
        %parallel_loop3A_182 = arith.addf %parallel_loop3A_165, %parallel_loop3A_167 : vector<16xf32>
        %parallel_loop3A_183 = arith.addf %parallel_loop3A_169, %parallel_loop3A_171 : vector<16xf32>
        %parallel_loop3A_184 = arith.addf %parallel_loop3A_173, %parallel_loop3A_175 : vector<16xf32>
        %parallel_loop3A_185 = arith.addf %parallel_loop3A_177, %parallel_loop3A_179 : vector<16xf32>
        %parallel_loop3A_186 = arith.addf %parallel_loop3A_182, %parallel_loop3A_183 : vector<16xf32>
        %parallel_loop3A_187 = arith.addf %parallel_loop3A_184, %parallel_loop3A_185 : vector<16xf32>
        %parallel_loop3A_188 = arith.addf %parallel_loop3A_186, %parallel_loop3A_187 : vector<16xf32>
        %parallel_loop3A_189 = arith.addf %parallel_loop3A_188, %parallel_loop3A_181 : vector<16xf32>
        tpu.vector_store_idx %arg7[%add3A_80, %parallel_loop3A_163], %parallel_loop3A_189 : memref<32x256xf32, #tpu.memory_space<vmem>>[vector<16xi32>, vector<16xi32>], vector<16xf32>,
      } {sc.loop_unroll_factor = 4 : i64, sc.parallel_access}
      %get3A_83 = arith.constant 0 : i32
      %get3A_84 = arith.index_cast %get3A_83 : i32 to index
      %get3A_85 = arith.constant 16 : index
      %get3A_86 = tpu.vector_load %arg6[%get3A_84, %get3A_85] {strides = array<i32>} : memref<16x32xi32, #tpu.memory_space<vmem>>, vector<16xi32>,
      %get3A_87 = arith.constant 1 : i32
      %get3A_88 = arith.index_cast %get3A_87 : i32 to index
      %get3A_89 = arith.constant 16 : index
      %get3A_90 = tpu.vector_load %arg6[%get3A_88, %get3A_89] {strides = array<i32>} : memref<16x32xi32, #tpu.memory_space<vmem>>, vector<16xi32>,
      %get3A_91 = arith.constant 2 : i32
      %get3A_92 = arith.index_cast %get3A_91 : i32 to index
      %get3A_93 = arith.constant 16 : index
      %get3A_94 = tpu.vector_load %arg6[%get3A_92, %get3A_93] {strides = array<i32>} : memref<16x32xi32, #tpu.memory_space<vmem>>, vector<16xi32>,
      %get3A_95 = arith.constant 3 : i32
      %get3A_96 = arith.index_cast %get3A_95 : i32 to index
      %get3A_97 = arith.constant 16 : index
      %get3A_98 = tpu.vector_load %arg6[%get3A_96, %get3A_97] {strides = array<i32>} : memref<16x32xi32, #tpu.memory_space<vmem>>, vector<16xi32>,
      %get3A_99 = arith.constant 4 : i32
      %get3A_100 = arith.index_cast %get3A_99 : i32 to index
      %get3A_101 = arith.constant 16 : index
      %get3A_102 = tpu.vector_load %arg6[%get3A_100, %get3A_101] {strides = array<i32>} : memref<16x32xi32, #tpu.memory_space<vmem>>, vector<16xi32>,
      %get3A_103 = arith.constant 5 : i32
      %get3A_104 = arith.index_cast %get3A_103 : i32 to index
      %get3A_105 = arith.constant 16 : index
      %get3A_106 = tpu.vector_load %arg6[%get3A_104, %get3A_105] {strides = array<i32>} : memref<16x32xi32, #tpu.memory_space<vmem>>, vector<16xi32>,
      %get3A_107 = arith.constant 6 : i32
      %get3A_108 = arith.index_cast %get3A_107 : i32 to index
      %get3A_109 = arith.constant 16 : index
      %get3A_110 = tpu.vector_load %arg6[%get3A_108, %get3A_109] {strides = array<i32>} : memref<16x32xi32, #tpu.memory_space<vmem>>, vector<16xi32>,
      %get3A_111 = arith.constant 7 : i32
      %get3A_112 = arith.index_cast %get3A_111 : i32 to index
      %get3A_113 = arith.constant 16 : index
      %get3A_114 = tpu.vector_load %arg6[%get3A_112, %get3A_113] {strides = array<i32>} : memref<16x32xi32, #tpu.memory_space<vmem>>, vector<16xi32>,
      %get3A_115 = arith.constant 8 : i32
      %get3A_116 = arith.index_cast %get3A_115 : i32 to index
      %get3A_117 = arith.constant 16 : index
      %get3A_118 = tpu.vector_load %arg6[%get3A_116, %get3A_117] {strides = array<i32>} : memref<16x32xi32, #tpu.memory_space<vmem>>, vector<16xi32>,
      %mul3A_119 = arith.constant 257 : i32
      %mul3A_120 = vector.broadcast %mul3A_119 : i32 to vector<16xi32>
      %mul3A_121 = arith.muli %get3A_86, %mul3A_120 : vector<16xi32>
      %mul3A_122 = arith.constant 257 : i32
      %mul3A_123 = vector.broadcast %mul3A_122 : i32 to vector<16xi32>
      %mul3A_124 = arith.muli %get3A_90, %mul3A_123 : vector<16xi32>
      %mul3A_125 = arith.constant 257 : i32
      %mul3A_126 = vector.broadcast %mul3A_125 : i32 to vector<16xi32>
      %mul3A_127 = arith.muli %get3A_94, %mul3A_126 : vector<16xi32>
      %mul3A_128 = arith.constant 257 : i32
      %mul3A_129 = vector.broadcast %mul3A_128 : i32 to vector<16xi32>
      %mul3A_130 = arith.muli %get3A_98, %mul3A_129 : vector<16xi32>
      %mul3A_131 = arith.constant 257 : i32
      %mul3A_132 = vector.broadcast %mul3A_131 : i32 to vector<16xi32>
      %mul3A_133 = arith.muli %get3A_102, %mul3A_132 : vector<16xi32>
      %mul3A_134 = arith.constant 257 : i32
      %mul3A_135 = vector.broadcast %mul3A_134 : i32 to vector<16xi32>
      %mul3A_136 = arith.muli %get3A_106, %mul3A_135 : vector<16xi32>
      %mul3A_137 = arith.constant 257 : i32
      %mul3A_138 = vector.broadcast %mul3A_137 : i32 to vector<16xi32>
      %mul3A_139 = arith.muli %get3A_110, %mul3A_138 : vector<16xi32>
      %mul3A_140 = arith.constant 257 : i32
      %mul3A_141 = vector.broadcast %mul3A_140 : i32 to vector<16xi32>
      %mul3A_142 = arith.muli %get3A_114, %mul3A_141 : vector<16xi32>
      %mul3A_143 = arith.constant 257 : i32
      %mul3A_144 = vector.broadcast %mul3A_143 : i32 to vector<16xi32>
      %mul3A_145 = arith.muli %get3A_118, %mul3A_144 : vector<16xi32>
      %add3A_146 = arith.constant 16 : i32
      %add3A_147 = vector.broadcast %add3A_146 : i32 to vector<16xi32>
      %add3A_148 = arith.addi %iota3A, %add3A_147 : vector<16xi32>
      %parallel_loop3A_149 = arith.constant 0 : i32
      %parallel_loop3A_150 = arith.constant 256 : i32
      %parallel_loop3A_151 = arith.constant 1 : i32
      scf.for %parallel_loop3A_154 = %parallel_loop3A_149 to %parallel_loop3A_150 step %parallel_loop3A_151  : i32 {
        %parallel_loop3A_155 = arith.constant -16 : i32
        %parallel_loop3A_156 = arith.andi %parallel_loop3A_154, %parallel_loop3A_155 : i32
        %parallel_loop3A_157 = vector.broadcast %parallel_loop3A_154 : i32 to vector<16xi32>
        %parallel_loop3A_158 = arith.addi %iota3A, %parallel_loop3A_157 : vector<16xi32>
        %parallel_loop3A_159 = arith.constant 15 : i32
        %parallel_loop3A_160 = vector.broadcast %parallel_loop3A_159 : i32 to vector<16xi32>
        %parallel_loop3A_161 = arith.andi %parallel_loop3A_158, %parallel_loop3A_160 : vector<16xi32>
        %parallel_loop3A_162 = vector.broadcast %parallel_loop3A_156 : i32 to vector<16xi32>
        %parallel_loop3A_163 = arith.addi %parallel_loop3A_162, %parallel_loop3A_161 : vector<16xi32>
        %parallel_loop3A_164 = arith.addi %mul3A_121, %parallel_loop3A_163 : vector<16xi32>
        %parallel_loop3A_165 = tpu.vector_load_idx %arg5[%parallel_loop3A_164] : memref<45232xf32, #tpu.memory_space<vmem>>[vector<16xi32>], vector<16xf32>,
        %parallel_loop3A_166 = arith.addi %mul3A_124, %parallel_loop3A_163 : vector<16xi32>
        %parallel_loop3A_167 = tpu.vector_load_idx %arg5[%parallel_loop3A_166] : memref<45232xf32, #tpu.memory_space<vmem>>[vector<16xi32>], vector<16xf32>,
        %parallel_loop3A_168 = arith.addi %mul3A_127, %parallel_loop3A_163 : vector<16xi32>
        %parallel_loop3A_169 = tpu.vector_load_idx %arg5[%parallel_loop3A_168] : memref<45232xf32, #tpu.memory_space<vmem>>[vector<16xi32>], vector<16xf32>,
        %parallel_loop3A_170 = arith.addi %mul3A_130, %parallel_loop3A_163 : vector<16xi32>
        %parallel_loop3A_171 = tpu.vector_load_idx %arg5[%parallel_loop3A_170] : memref<45232xf32, #tpu.memory_space<vmem>>[vector<16xi32>], vector<16xf32>,
        %parallel_loop3A_172 = arith.addi %mul3A_133, %parallel_loop3A_163 : vector<16xi32>
        %parallel_loop3A_173 = tpu.vector_load_idx %arg5[%parallel_loop3A_172] : memref<45232xf32, #tpu.memory_space<vmem>>[vector<16xi32>], vector<16xf32>,
        %parallel_loop3A_174 = arith.addi %mul3A_136, %parallel_loop3A_163 : vector<16xi32>
        %parallel_loop3A_175 = tpu.vector_load_idx %arg5[%parallel_loop3A_174] : memref<45232xf32, #tpu.memory_space<vmem>>[vector<16xi32>], vector<16xf32>,
        %parallel_loop3A_176 = arith.addi %mul3A_139, %parallel_loop3A_163 : vector<16xi32>
        %parallel_loop3A_177 = tpu.vector_load_idx %arg5[%parallel_loop3A_176] : memref<45232xf32, #tpu.memory_space<vmem>>[vector<16xi32>], vector<16xf32>,
        %parallel_loop3A_178 = arith.addi %mul3A_142, %parallel_loop3A_163 : vector<16xi32>
        %parallel_loop3A_179 = tpu.vector_load_idx %arg5[%parallel_loop3A_178] : memref<45232xf32, #tpu.memory_space<vmem>>[vector<16xi32>], vector<16xf32>,
        %parallel_loop3A_180 = arith.addi %mul3A_145, %parallel_loop3A_163 : vector<16xi32>
        %parallel_loop3A_181 = tpu.vector_load_idx %arg5[%parallel_loop3A_180] : memref<45232xf32, #tpu.memory_space<vmem>>[vector<16xi32>], vector<16xf32>,
        %parallel_loop3A_182 = arith.addf %parallel_loop3A_165, %parallel_loop3A_167 : vector<16xf32>
        %parallel_loop3A_183 = arith.addf %parallel_loop3A_169, %parallel_loop3A_171 : vector<16xf32>
        %parallel_loop3A_184 = arith.addf %parallel_loop3A_173, %parallel_loop3A_175 : vector<16xf32>
        %parallel_loop3A_185 = arith.addf %parallel_loop3A_177, %parallel_loop3A_179 : vector<16xf32>
        %parallel_loop3A_186 = arith.addf %parallel_loop3A_182, %parallel_loop3A_183 : vector<16xf32>
        %parallel_loop3A_187 = arith.addf %parallel_loop3A_184, %parallel_loop3A_185 : vector<16xf32>
        %parallel_loop3A_188 = arith.addf %parallel_loop3A_186, %parallel_loop3A_187 : vector<16xf32>
        %parallel_loop3A_189 = arith.addf %parallel_loop3A_188, %parallel_loop3A_181 : vector<16xf32>
        tpu.vector_store_idx %arg7[%add3A_148, %parallel_loop3A_163], %parallel_loop3A_189 : memref<32x256xf32, #tpu.memory_space<vmem>>[vector<16xi32>, vector<16xi32>], vector<16xf32>,
      } {sc.loop_unroll_factor = 4 : i64, sc.parallel_access}
      %mul3A_152 = arith.constant 32 : i32
      %mul3A_153 = arith.muli %add3A_15, %mul3A_152 : i32
      "tpu.region"() ({
        %run_scoped3A = tpu.sem_alloc : memref<!tpu.dma_semaphore, #tpu.memory_space<semaphore_mem>>
        %dma_start3A = arith.constant 0 : i32
        %dma_start3A_154 = tpu.memref_slice %arg4[%mul3A_153, %dma_start3A] : memref<100000x256xf32, #tpu.memory_space<hbm>> -> memref<32x256xf32, #tpu.memory_space<hbm>>
        %dma_start3A_155 = arith.constant 0 : i32
        %dma_start3A_156 = tpu.memref_slice %arg4[%mul3A_153, %dma_start3A_155] : memref<100000x256xf32, #tpu.memory_space<hbm>> -> memref<32x256xf32, #tpu.memory_space<hbm>>
        tpu.enqueue_dma source(%arg7 : memref<32x256xf32, #tpu.memory_space<vmem>>) target(%dma_start3A_156 : memref<32x256xf32, #tpu.memory_space<hbm>>) target_semaphore(%run_scoped3A : memref<!tpu.dma_semaphore, #tpu.memory_space<semaphore_mem>>)
        %dma_wait3A = arith.constant 0 : i32
        %dma_wait3A_157 = tpu.memref_slice %arg4[%mul3A_153, %dma_wait3A] : memref<100000x256xf32, #tpu.memory_space<hbm>> -> memref<32x256xf32, #tpu.memory_space<hbm>>
        %dma_wait3A_158 = arith.constant 0 : i32
        %dma_wait3A_159 = tpu.memref_slice %arg4[%mul3A_153, %dma_wait3A_158] : memref<100000x256xf32, #tpu.memory_space<hbm>> -> memref<32x256xf32, #tpu.memory_space<hbm>>
        tpu.wait_dma2 semaphore(%run_scoped3A : memref<!tpu.dma_semaphore, #tpu.memory_space<semaphore_mem>>) src(%arg7 : memref<32x256xf32, #tpu.memory_space<vmem>>) dst(%dma_wait3A_159 : memref<32x256xf32, #tpu.memory_space<hbm>>)
        tpu.yield
      }) : () -> ()
    }
    return
  }
}

</mosaic_0001>

<sc_bundles>
// kernel: kernel.3.cloned.1.call-start
scs
__scs_entry_jumppad:
0x0: {  	(pc) =	sbr.rel $0x88, $3  }
0x1: {  	(tag) =	ssettag $0x0;
	lr =	simm.s32 $0x1  }
0x2: {  	[smem:$0x3F97] =	sst lr;
	_ =	strace $0xD0000000  }
0x3: {  	_ = 	snop  }
0x4: {  	_ = 	snop  }
0x5: {  	_ = 	snop  }
0x6: {  	_ = 	snop  }
0x7: {  	_ = 	snop  }
__scs_overlays_trampoline_lowered:
0x8: {  	[smem:$0x3FA6] =	sst s0  }
0x9: {  	[smem:$0x3FA7] =	sst s1  }
0xa: {  	[smem:$0x3FA8] =	sst s2  }
0xb: {  	[smem:$0x3FA9] =	sst s3  }
0xc: {  	[smem:$0x3FAA] =	sst s4  }
0xd: {  	[smem:$0x3FAB] =	sst s5  }
0xe: {  	[smem:$0x3FAC] =	sst s6  }
0xf: {  	[smem:$0x3FAD] =	sst s7  }
0x10: {  	[smem:$0x3FAE] =	sst s8  }
0x11: {  	[smem:$0x3FAF] =	sst s9;
	s0 =	simm.s32 @!p0 $0x0  }
0x12: {  	s1 =	sld [smem:$0x3F95];
	s0 =	simm.s32 @p0 $0x1  }
0x13: {  	[smem:$0x3FB0] =	sst s0;
	s0 =	simm.s32 @!p1 $0x0  }
0x14: {  	s2 =	sld [smem:$0x3F94];
	s0 =	simm.s32 @p1 $0x1  }
0x15: {  	[smem:$0x3FB1] =	sst s0;
	s0 =	simm.s32 @!p2 $0x0  }
0x16: {  	s3 =	sld [smem:$0x3FDB];
	s0 =	simm.s32 @p2 $0x1  }
0x17: {  	s4 =	simm.s32 $0x1BF5;
	[smem:$0x3FB3] =	sst s0  }
0x18: {  	s0 =	sld [smem:$0x3F96];
	_ =	swait.ge [sflag:s4], $0x0  }
0x19: {  	s7 =	sld [smem:$0x3F97]  }
0x1a: {  	s8 =	sadd.s32 $0xFFFFE003, lr  }
0x1b: {  	s9 =	sadd.s32 $0xFFFFFEF7, lr;
	s5 =	simm.s32 $0xFFFFFFFF;
	p2 =	slt.u32 s8, $0xFFFFF086  }
0x1c: {  	p1 =	slt.u32 s9, $0xF7A;
	s5 =	simm.s32 @!p2 $0x0  }
0x1d: {  	s5 =	simm.s32 @p1 $0x1;
	p0 =	seq.s32 s7, s2  }
0x1e: {  	s7 =	smul.u32 @!p0 $0xF7A, s2;
	p2 =	seq.s32 @!p0 s5, $0x0  }
0x1f: {  	s9 =	smul.u32 $0xF7A, s1;
	s8 =	simm.s32 @!p0 $0x1BF5;
	p2 =	por !p2, p0  }
0x20: {  	[sflag:s8] =	ssyncset.s32 @!p0 $0xFFFFF086;
	s6 =	sadd.s32 @!p0 s3, s7;
	s7 =	simm.s32 @!p0 $0x108  }
0x21: {  	s3 =	sadd.s32 s3, s9;
	s6 =	sadd.s32 @!p0 $0x88, s6;
	s7 =	simm.s32 @p2 $0x1082  }
0x22: {  	[simem:s7], [sflag:s8] =	dma.local @!p0 [hbm:s6], $0xF7A  }
0x23: {  	s9 =	sor.u32 $0xD0000000, s2;
	s6 =	simm.s32 $0x108;
	_ =	swait.ge @!p0 [sflag:s8], $0x0  }
0x24: {  	s3 =	sadd.s32 $0x88, s3;
	s6 =	simm.s32 @!p1 $0x1082;
	[sflag:s4] =	ssyncset.s32 $0xFFFFF086  }
0x25: {  	[simem:s6], [sflag:s4] =	dma.local [hbm:s3], $0xF7A  }
0x26: {  	[smem:$0x3F97] =	sst s1;
	(tag) =	ssettag s2;
	_ =	strace s9  }
0x27: {  	s1 =	sld [smem:$0x3FA7]  }
0x28: {  	s2 =	sld [smem:$0x3FA8]  }
0x29: {  	s4 =	sld [smem:$0x3FAA]  }
0x2a: {  	p0 =	seq.s32 s5, $0x0;
	s5 =	sld [smem:$0x3FAB]  }
0x2b: {  	s6 =	sld [smem:$0x3FAC]  }
0x2c: {  	s7 =	sld [smem:$0x3FAD]  }
0x2d: {  	s3 =	simm.s32 $0x108;
	s8 =	sld [smem:$0x3FAE]  }
0x2e: {  	s3 =	simm.s32 @!p0 $0x1082;
	s9 =	sld [smem:$0x3FAF]  }
0x2f: {  	lr =	sadd.s32 s0, s3;
	s0 =	sld [smem:$0x3FA6]  }
0x30: {  	s3 =	sld [smem:$0x3FA9]  }
0x31: {  	[smem:$0x3FB2] =	sst s10  }
0x32: {  	s10 =	sld [smem:$0x3FB0];
	_ =	sdelay $0x3  }
0x33: {  	p0 =	seq.s32 s10, $0x1;
	s10 =	sld [smem:$0x3FB2];
	_ =	sdelay $0x3  }
0x34: {  	[smem:$0x3FB2] =	sst s10  }
0x35: {  	s10 =	sld [smem:$0x3FB1];
	_ =	sdelay $0x3  }
0x36: {  	p1 =	seq.s32 s10, $0x1;
	s10 =	sld [smem:$0x3FB2];
	_ =	sdelay $0x3  }
0x37: {  	[smem:$0x3FB2] =	sst s10  }
0x38: {  	s10 =	sld [smem:$0x3FB3]  }
0x39: {  	_ = 	snop;
	(pc) =	sbr.ind lr, $3  }
0x3a: {  	_ = 	snop  }
0x3b: {  	_ = 	snop  }
0x3c: {  	p2 =	seq.s32 s10, $0x1;
	s10 =	sld [smem:$0x3FB2]  }
0x3d: {  	_ =	shalt  }
0x3e: {  	_ =	shalt  }
0x3f: {  	_ =	shalt  }
0x40: {  	_ =	shalt  }
0x41: {  	_ =	shalt  }
0x42: {  	_ =	shalt  }
0x43: {  	_ =	shalt  }
0x44: {  	_ =	shalt  }
0x45: {  	_ =	shalt  }
0x46: {  	_ =	shalt  }
0x47: {  	_ =	shalt  }
0x48: {  	_ =	shalt  }
0x49: {  	_ =	shalt  }
0x4a: {  	_ =	shalt  }
0x4b: {  	_ =	shalt  }
0x4c: {  	_ =	shalt  }
0x4d: {  	_ =	shalt  }
0x4e: {  	_ =	shalt  }
0x4f: {  	_ =	shalt  }
0x50: {  	_ =	shalt  }
0x51: {  	_ =	shalt  }
0x52: {  	_ =	shalt  }
0x53: {  	_ =	shalt  }
0x54: {  	_ =	shalt  }
0x55: {  	_ =	shalt  }
0x56: {  	_ =	shalt  }
0x57: {  	_ =	shalt  }
0x58: {  	_ =	shalt  }
0x59: {  	_ =	shalt  }
0x5a: {  	_ =	shalt  }
0x5b: {  	_ =	shalt  }
0x5c: {  	_ =	shalt  }
0x5d: {  	_ =	shalt  }
0x5e: {  	_ =	shalt  }
0x5f: {  	_ =	shalt  }
0x60: {  	_ =	shalt  }
0x61: {  	_ =	shalt  }
0x62: {  	_ =	shalt  }
0x63: {  	_ =	shalt  }
0x64: {  	_ =	shalt  }
0x65: {  	_ =	shalt  }
0x66: {  	_ =	shalt  }
0x67: {  	_ =	shalt  }
0x68: {  	_ =	shalt  }
0x69: {  	_ =	shalt  }
0x6a: {  	_ =	shalt  }
0x6b: {  	_ =	shalt  }
0x6c: {  	_ =	shalt  }
0x6d: {  	_ =	shalt  }
0x6e: {  	_ =	shalt  }
0x6f: {  	_ =	shalt  }
0x70: {  	_ =	shalt  }
0x71: {  	_ =	shalt  }
0x72: {  	_ =	shalt  }
0x73: {  	_ =	shalt  }
0x74: {  	_ =	shalt  }
0x75: {  	_ =	shalt  }
0x76: {  	_ =	shalt  }
0x77: {  	_ =	shalt  }
0x78: {  	_ =	shalt  }
0x79: {  	_ =	shalt  }
0x7a: {  	_ =	shalt  }
0x7b: {  	_ =	shalt  }
0x7c: {  	_ =	shalt  }
0x7d: {  	_ =	shalt  }
0x7e: {  	_ =	shalt  }
0x7f: {  	_ =	shalt  }
0x80: {  	_ =	shalt  }
0x81: {  	_ =	shalt  }
0x82: {  	_ =	shalt  }
0x83: {  	_ =	shalt  }
0x84: {  	_ =	shalt  }
0x85: {  	_ =	shalt  }
0x86: {  	_ =	shalt  }
0x87: {  	_ =	shalt  }
.Lfunc_end0:
.L_simem_size_0:
called_computation_lowered:
.L_overlay_start_0:
0x88: {  	s2 =	sld [smem:$0x3FD9]  }
0x89: {  	s3 =	sld [smem:$0x3FFE];
	_ =	sdelay $0x1  }
0x8a: {  	s1 =	srdreg.scid  }
0x8b: {  	s0 =	sand.u32 $0x1, s1  }
0x8c: {  	s17 =	sshll.u32 s0, $0xA;
	s2 =	sadd.s32 s3, s2  }
0x8d: {  	s2 =	sadd.s32 s2, s17  }
0x8e: {  	[smem:$0x3FBE] =	sst s2  }
0x8f: {  	_ = 	snop  }
0x90: {  	s2 =	sld [smem:$0x3FD0];
	(tm) =	ssettm $0x1  }
0x91: {  	s18 =	sld [smem:$0x3FFB];
	_ =	sdelay $0x3  }
0x92: {  	_ =	strace s18  }
0x93: {  	s3 =	sld [smem:$0x3FFC];
	_ =	sdelay $0x3  }
0x94: {  	_ =	strace s3  }
0x95: {  	s3 =	sld [smem:$0x3FFD];
	_ =	sdelay $0x3  }
0x96: {  	_ =	strace s3  }
0x97: {  	_ =	strace $0x8FFFFFFF  }
0x98: {  	s19 =	sld [smem:$0x3FDB];
	_ =	sdelay $0x1  }
0x99: {  	s4 =	simm.s32 $_scs_section_size  }
0x9a: {  	s5 =	simm.s32 $_size__tile_overlayer_lowered;
	s6 =	simm.s32 $_tile_overlayer_lowered  }
0x9b: {  	s22 =	simm.s32 $0x1BFF;
	s21 =	sshll.u32 s6, $0x1;
	s3 =	sadd.s32 s4, s19  }
0x9c: {  	s7 =	simm.s32 $0x0;
	s20 =	sshll.u32 s5, $0x1;
	s5 =	sadd.s32 s21, s3  }
0x9d: {  	[timem:s7], [sflag:s22] =	dma.local [hbm:s5], s20  }
0x9e: {  	_ =	swait.ge [sflag:s22], s20  }
0x9f: {  	s4 =	ssub.s32 $0x0, s20;
	[sflag:s22] =	ssyncset.done $0x0  }
0xa0: {  	[sflag:s22] =	ssyncadd.s32 s4;
	_ =	sdelay $0x1  }
0xa1: {  	s23 =	simm.s32 $0x1B8B  }
0xa2: {  	_ =	swait.ge [sflag:s23], $0x1  }
0xa3: {  	[sflag:s23] =	ssyncset.done $0x0  }
0xa4: {  	s25 =	simm.s32 $0x1B8E;
	s24 =	sld [smem:$0x3FFE];
	[sflag:s23] =	ssyncadd.s32 $0xFFFFFFFF  }
0xa5: {  	s26 =	simm.s32 $execute0_lowered;
	[smem:$0x3FD2] =	sst s25  }
0xa6: {  	s5 =	sshll.u32 s26, $0x1;
	_ =	strace $0x80000046;
	[dreg:$0x1] =	wrdreg $0xFFFFFFFF  }
0xa7: {  	s28 =	simm.s32 $_size_execute0_lowered;
	s3 =	sadd.s32 s3, s5;
	[dreg:$0x0] =	wrdreg $0x0  }
0xa8: {  	s5 =	sshll.u32 s28, $0x1;
	[dreg:$0x2] =	wrdreg s3  }
0xa9: {  	[dreg:$0x3] =	wrdreg s5  }
0xaa: {  	[dreg:$0x4] =	wrdreg $0xC0  }
0xab: {  	_ =	task [dreg:s7], $0x5FFFF  }
0xac: {  	[dreg:$0x1] =	wrdreg $0xFFFFFFFF  }
0xad: {  	[dreg:$0x0] =	wrdreg $0x60  }
0xae: {  	[dreg:$0x2] =	wrdreg s24  }
0xaf: {  	[dreg:$0x3] =	wrdreg s2  }
0xb0: {  	[dreg:$0x4] =	wrdreg $0x9  }
0xb1: {  	_ =	task.clear_ibuf [dreg:s7], $0x5FFFF;
	_ =	strace $0x90000046  }
0xb2: {  	s29 =	simm.s32 $0x9;
	_ =	strace $0x80000048  }
0xb3: {  	_ =	swait.ge [sflag:s29], $0x1  }
0xb4: {  	[sflag:s29] =	ssyncadd.s32 $0xFFFFFFFF  }
0xb5: {  	_ =	strace $0x90000048  }
0xb6: {  	_ =	sfence  }
0xb7: {  	s30 =	sld [smem:$0x0];
	_ =	sdelay $0x2  }
0xb8: {  	s31 =	sshll.u32 s1, $0xD;
	s1 =	sshrl.u32 s1, $0x2  }
0xb9: {  	s3 =	sand.u32 $0x4000, s31;
	s1 =	sadd.s32 s1, s30  }
0xba: {  	s0 =	sor.u32 s3, s0;
	s1 =	sshll.u32 s1, $0x11  }
0xbb: {  	s0 =	sor.u32 s1, s0  }
0xbc: {  	s0 =	sadd.s32 $0x8F2B, s0  }
0xbd: {  	[sflag:s0] =	ssyncadd.remote.s32 $0x1  }
0xbe: {  	_ =	sfence.sel $0xFFFF  }
0xbf: {  	[dreg:$0x0] =	wrdreg $0xFFFFFFFF;
	(pc) =	sbr.abs _section_cstart, $3  }
0xc0: {  	[dreg:$0x1] =	wrdreg $0xFFFFFFFF  }
0xc1: {  	_ =	task.clear_ibuf [dreg:s7], $0x2FFFF;
	_ =	strace $0x9FFFFFFF  }
0xc2: {  	(tm) =	ssettm $0x7FFFFFFF  }
0xc3: {  	_ =	shalt  }
tec
execute0_lowered:
.L_overlay_start_1:
0x0: {  	(tag) =	ssettag $0x1  }
0x1: {  	v0 =	vimm.s32 $0xB80;
	vm0 =	vcmask $0x300  }
0x2: {  	v1 =	vimm.s32 $0x1B80;
	vm1 =	vcmask $0x704;
	v0 =	vsel vm0, $0x0, v0  }
0x3: {  	vm15 =	vcmask $0xB08;
	v1 =	vsel vm0, $0x1000, v1;
	v0 =	vsel vm1, $0x80, v0  }
0x4: {  	vm4 =	vcmask $0xF0C;
	v1 =	vsel vm1, $0x1080, v1;
	v0 =	vsel vm15, $0x100, v0  }
0x5: {  	vm5 =	vcmask $0x1310;
	v1 =	vsel vm15, $0x1100, v1;
	v0 =	vsel vm4, $0x180, v0  }
0x6: {  	vm6 =	vcmask $0x1714;
	v1 =	vsel vm4, $0x1180, v1;
	v0 =	vsel vm5, $0x200, v0  }
0x7: {  	vm7 =	vcmask $0x1B18;
	v1 =	vsel vm5, $0x1200, v1;
	v0 =	vsel vm6, $0x280, v0  }
0x8: {  	vm8 =	vcmask $0x1F1C;
	v1 =	vsel vm6, $0x1280, v1;
	v0 =	vsel vm7, $0x300, v0  }
0x9: {  	s5 =	rddreg [dreg:$0x0];
	vm9 =	vcmask $0x2320;
	v1 =	vsel vm7, $0x1300, v1;
	v0 =	vsel vm8, $0x380, v0  }
0xa: {  	s1 =	rddreg [dreg:$0x1];
	vm10 =	vcmask $0x2724;
	v1 =	vsel vm8, $0x1380, v1;
	v0 =	vsel vm9, $0x800, v0  }
0xb: {  	s0 =	rddreg [dreg:$0x2];
	vm11 =	vcmask $0x2B28;
	v1 =	vsel vm9, $0x1800, v1;
	v0 =	vsel vm10, $0x880, v0  }
0xc: {  	s2 =	simm.s32 $0x0;
	s4 =	srdreg.scid;
	s3 =	stileid.u32;
	vm12 =	vcmask $0x2F2C;
	v1 =	vsel vm10, $0x1880, v1;
	v0 =	vsel vm11, $0x900, v0  }
0xd: {  	vm13 =	vcmask $0x3330;
	s10 =	simm.s32 $0xB100;
	s11 =	simm.s32 $0xB900;
	s12 =	simm.s32 $0x0;
	v1 =	vsel vm11, $0x1900, v1;
	v0 =	vsel vm12, $0x980, v0  }
0xe: {  	vm14 =	vcmask $0x3734;
	[smem:$0x7FF] =	sst s2;
	s6 =	sand.u32 $0x1, s4;
	s4 =	sadd.s32 $0x400, s5;
	v1 =	vsel vm12, $0x1980, v1;
	v0 =	vsel vm13, $0xA00, v0  }
0xf: {  	s8 =	sshll.u32 s3, $0x1;
	s5 =	sadd.s32 $0x1C00, s5;
	s7 =	ssub.s32 $0x2, s6;
	vm15 =	vcmask $0x3B38;
	v1 =	vsel vm13, $0x1A00, v1;
	v2 =	vsel vm14, $0xA80, v0  }
0x10: {  	_ =	strace $0x80000047;
	s6 =	sor.u32 s6, s8;
	s9 =	sshrl.u32 s7, $0x1;
	v3 =	vsel vm14, $0x1A80, v1;
	v57 =	vsel vm15, $0xB00, v2  }
0x11: {  	p0 =	slt.u32 s6, $0x15;
	s31 =	ssub.s32 s7, s9;
	s7 =	simm.s32 $0x62;
	v59 =	vsel vm15, $0x1B00, v3;
	[tilespmem:$0x1FFE0] =	vst v57  }
0x12: {  	v56 =	vlaneseq.u32;
	s9 =	simm.s32 $0x1;
	s7 =	simm.s32 @!p0 $0x61;
	s8 =	smax.u32 s31, $0x1;
	[tilespmem:$0x1FFF0] =	vst v59  }
.LBB2_1:
0x13: {  	[tilespmem:s2], [sflag:$0x1] =	stream.linear.gather [hbm4b:s4+s2], $0xB100, $0x38;
	[tilespmem:$0xD900] =	vst v63  }
0x14: {  	_ =	swait.ge [sflag:s9], $0xB100  }
0x15: {  	[sflag:s9] =	ssyncset.done $0x0  }
0x16: {  	s13 =	simm.s32 $0x0;
	[sflag:s9] =	ssyncadd.s32 $0xFFFF4F00  }
.LBB2_2:
0x17: {  	s14 =	sshll.u32 s13, $0x5  }
0x18: {  	s14 =	sor.u32 s6, s14  }
0x19: {  	s15 =	sshll.u32 s14, $0x8  }
0x1a: {  	s16 =	simm.s32 $0x0;
	s15 =	sadd.s32 s5, s15  }
0x1b: {  	[tilespmem:s10], [sflag:$0x1] =	stream.linear.gather [hbm4b:s15+s16], $0x800, $0x38;
	[tilespmem:$0xD900] =	vst v63  }
0x1c: {  	_ =	swait.ge [sflag:s9], $0x800  }
0x1d: {  	[sflag:s9] =	ssyncset.done $0x0  }
0x1e: {  	[sflag:s9] =	ssyncadd.s32 $0xFFFFF800  }
0x1f: {  	v3 =	vld [tilespmem:$0xB100]  }
0x20: {  	v4 =	vld [tilespmem:$0xB180]  }
0x21: {  	v5 =	vld [tilespmem:$0xB200]  }
0x22: {  	s24 =	simm.s32 $0x3;
	v6 =	vld [tilespmem:$0xB280]  }
0x23: {  	v8 =	vadd.s32 s24, v56;
	v7 =	vld [tilespmem:$0xB300]  }
0x24: {  	s25 =	sand.u32 $0xF0, s16;
	v8 =	vand.u32 $0xF, v8;
	v9 =	vld [tilespmem:$0xB380];
	v0 =	vmul.u32 $0x101, v3  }
0x25: {  	v12 =	vor.u32 s25, v8;
	v11 =	vld [tilespmem:$0xB400];
	v1 =	vmul.u32 $0x101, v4  }
0x26: {  	v52 =	vld [tilespmem:$0xB480];
	v2 =	vmul.u32 $0x101, v5;
	v13 =	vadd.s32 v0, v12  }
0x27: {  	v3 =	vmul.u32 $0x101, v6;
	v14 =	vadd.s32 v1, v12  }
0x28: {  	v4 =	vmul.u32 $0x101, v7;
	v15 =	vadd.s32 v2, v12  }
0x29: {  	v7 =	vmul.u32 $0x101, v9;
	v53 =	vadd.s32 v3, v12  }
0x2a: {  	s17 =	simm.s32 $0x1;
	v16 =	vld [tilespmem:$0xB500];
	v10 =	vmul.u32 $0x101, v11;
	v17 =	vadd.s32 v4, v12  }
0x2b: {  	v18 =	vadd.s32 s17, v56;
	v54 =	vmul.u32 $0x101, v52;
	v19 =	vadd.s32 v7, v12;
	v13 =	vld.idx.msk [tilespmem:v13+s2+$0x0], $0xffff  }
0x2c: {  	v18 =	vand.u32 $0xF, v18;
	v20 =	vadd.s32 v10, v12;
	v14 =	vld.idx.msk [tilespmem:v14+s2+$0x0], $0xffff  }
0x2d: {  	v18 =	vor.u32 s25, v18;
	v21 =	vadd.s32 v54, v12;
	v15 =	vld.idx.msk [tilespmem:v15+s2+$0x0], $0xffff  }
0x2e: {  	v22 =	vadd.s32 v0, v18;
	v23 =	vld.idx.msk [tilespmem:v53+s2+$0x0], $0xffff  }
0x2f: {  	v24 =	vadd.s32 v1, v18;
	v17 =	vld.idx.msk [tilespmem:v17+s2+$0x0], $0xffff  }
0x30: {  	v25 =	vadd.s32 v2, v18;
	v19 =	vld.idx.msk [tilespmem:v19+s2+$0x0], $0xffff  }
0x31: {  	v55 =	vmul.u32 $0x101, v16;
	v16 =	vadd.s32 v3, v18;
	v20 =	vld.idx.msk [tilespmem:v20+s2+$0x0], $0xffff  }
0x32: {  	s26 =	simm.s32 $0x2;
	v28 =	vadd.s32 v4, v18;
	v21 =	vld.idx.msk [tilespmem:v21+s2+$0x0], $0xffff  }
0x33: {  	v26 =	vadd.s32 s16, v56;
	v27 =	vadd.s32 s26, v56;
	v29 =	vadd.s32 v55, v12;
	v22 =	vld.idx.msk [tilespmem:v22+s2+$0x0], $0xffff  }
0x34: {  	v26 =	vand.u32 $0xF, v26;
	v27 =	vand.u32 $0xF, v27;
	v30 =	vadd.s32 v7, v18;
	v24 =	vld.idx.msk [tilespmem:v24+s2+$0x0], $0xffff  }
0x35: {  	v27 =	vor.u32 s25, v27;
	v26 =	vor.u32 s25, v26;
	v31 =	vadd.s32 v10, v18;
	v25 =	vld.idx.msk [tilespmem:v25+s2+$0x0], $0xffff  }
0x36: {  	v32 =	vadd.s32 v54, v18;
	v33 =	vadd.s32 v0, v27;
	v34 =	vadd.s32 v1, v27;
	v37 =	vld.idx.msk [tilespmem:v16+s2+$0x0], $0xffff  }
0x37: {  	v35 =	vadd.s32 v2, v27;
	v36 =	vadd.s32 v3, v27;
	v38 =	vadd.s32 v4, v27;
	v28 =	vld.idx.msk [tilespmem:v28+s2+$0x0], $0xffff  }
0x38: {  	v39 =	vadd.s32 v7, v27;
	v40 =	vadd.s32 v10, v27;
	v41 =	vadd.s32 v0, v26;
	v29 =	vld.idx.msk [tilespmem:v29+s2+$0x0], $0xffff  }
0x39: {  	v42 =	vadd.s32 v1, v26;
	v43 =	vadd.s32 v54, v27;
	v30 =	vld.idx.msk [tilespmem:v30+s2+$0x0], $0xffff;
	[tilespmem:$0x1FF40] =	vst v54  }
0x3a: {  	v52 =	vand.u32 $0x7F, v18;
	v44 =	vadd.s32 v2, v26;
	v45 =	vadd.s32 v3, v26;
	v31 =	vld.idx.msk [tilespmem:v31+s2+$0x0], $0xffff;
	[tilespmem:$0x1FF50] =	vst v55  }
0x3b: {  	v46 =	vadd.s32 v4, v26;
	v47 =	vadd.s32 v7, v26;
	v48 =	vadd.s32 v10, v26;
	v32 =	vld.idx.msk [tilespmem:v32+s2+$0x0], $0xffff  }
0x3c: {  	v49 =	vadd.s32 v54, v26;
	v50 =	vadd.s32 v55, v18;
	v51 =	vadd.s32 v55, v27;
	v58 =	vld.idx.msk [tilespmem:v36+s2+$0x0], $0xffff  }
0x3d: {  	v18 =	vmov s25;
	v13 =	vadd.f32 v14, v13;
	v14 =	vadd.f32 v23, v15;
	v15 =	vld.idx.msk [tilespmem:v33+s2+$0x0], $0xffff  }
0x3e: {  	v18 =	vshll.u32 v18, $0x3;
	v17 =	vadd.f32 v19, v17;
	v19 =	vadd.f32 v21, v20;
	v20 =	vld.idx.msk [tilespmem:v34+s2+$0x0], $0xffff  }
0x3f: {  	v18 =	vand.u32 $0x400, v18;
	v21 =	vand.u32 $0x7F, v27;
	v27 =	vld.idx.msk [tilespmem:v35+s2+$0x0], $0xffff;
	v13 =	vadd.f32 v14, v13  }
0x40: {  	v14 =	vadd.f32 v19, v17;
	v17 =	vor.u32 v57, v18;
	v19 =	vadd.f32 v24, v22;
	v24 =	vld.idx.msk [tilespmem:v38+s2+$0x0], $0xffff  }
0x41: {  	v22 =	vadd.f32 v37, v25;
	v25 =	vadd.f32 v30, v28;
	v30 =	vld.idx.msk [tilespmem:v39+s2+$0x0], $0xffff;
	v59 =	vor.u32 v17, v52  }
0x42: {  	v12 =	vand.u32 $0x7F, v12;
	v16 =	vadd.s32 v55, v26;
	v23 =	vand.u32 $0x7F, v26;
	v18 =	vld.idx.msk [tilespmem:v40+s2+$0x0], $0xffff;
	[tilespmem:$0x1FF60] =	vst v59  }
0x43: {  	v26 =	vadd.f32 v32, v31;
	v31 =	vor.u32 v17, v12;
	v28 =	vadd.f32 v22, v19;
	v19 =	vld.idx.msk [tilespmem:v43+s2+$0x0], $0xffff  }
0x44: {  	v62 =	vor.u32 v23, v17;
	v23 =	vadd.f32 v14, v13;
	v22 =	vld.idx.msk [tilespmem:v41+s2+$0x0], $0xffff  }
0x45: {  	v25 =	vadd.f32 v26, v25;
	v26 =	vld.idx.msk [tilespmem:v42+s2+$0x0], $0xffff  }
0x46: {  	v14 =	vor.u32 v17, v21;
	v21 =	vadd.f32 v23, v29;
	v23 =	vadd.f32 v58, v27;
	v27 =	vld.idx.msk [tilespmem:v44+s2+$0x0], $0xffff  }
0x47: {  	s30 =	simm.s32 $0x6;
	v17 =	vadd.f32 v25, v28;
	v28 =	vld.idx.msk [tilespmem:v45+s2+$0x0], $0xffff  }
0x48: {  	s28 =	simm.s32 $0x4;
	s31 =	simm.s32 $0x7;
	v60 =	vadd.s32 s30, v56;
	v24 =	vadd.f32 v30, v24;
	v30 =	vld.idx.msk [tilespmem:v46+s2+$0x0], $0xffff;
	[tilespmem:v31+s11+$0x0] =	vst.idx.msk $0xffff, v21  }
0x49: {  	s29 =	simm.s32 $0x5;
	v61 =	vadd.s32 s31, v56;
	v15 =	vadd.f32 v20, v15;
	v20 =	vadd.s32 s28, v56;
	v31 =	vld.idx.msk [tilespmem:v47+s2+$0x0], $0xffff;
	[tilespmem:$0x1FF70] =	vst v0  }
0x4a: {  	v63 =	vand.u32 $0xF, v61;
	v29 =	vand.u32 $0xF, v20;
	v25 =	vadd.s32 s29, v56;
	v34 =	vld.idx.msk [tilespmem:v48+s2+$0x0], $0xffff;
	[tilespmem:$0x1FF80] =	vst v1  }
0x4b: {  	s15 =	sand.u32 $0xF0, s28;
	v20 =	vadd.f32 v23, v15;
	v15 =	vand.u32 $0xF, v25;
	v23 =	vand.u32 $0xF, v60;
	v37 =	vld.idx.msk [tilespmem:v49+s2+$0x0], $0xffff;
	[tilespmem:$0x1FF90] =	vst v4  }
0x4c: {  	v21 =	vor.u32 s15, v29;
	v25 =	vor.u32 s15, v15;
	v15 =	vor.u32 s15, v63;
	[tilespmem:$0x1FFA0] =	vst v2  }
0x4d: {  	v23 =	vor.u32 s15, v23;
	v43 =	vadd.s32 v0, v25;
	v45 =	vadd.s32 v0, v15;
	v35 =	vld.idx.msk [tilespmem:v50+s2+$0x0], $0xffff;
	[tilespmem:$0x1FFB0] =	vst v7  }
0x4e: {  	v44 =	vadd.s32 v1, v25;
	v42 =	vadd.s32 v2, v25;
	v46 =	vadd.s32 v1, v15;
	[tilespmem:$0x1FFC0] =	vst v10  }
0x4f: {  	v41 =	vadd.s32 v3, v25;
	v40 =	vadd.s32 v4, v25;
	v36 =	vadd.s32 v2, v15;
	[tilespmem:$0x1FFD0] =	vst v3  }
0x50: {  	s16 =	simm.s32 $0x8;
	v39 =	vadd.s32 v7, v25;
	v38 =	vadd.s32 v10, v25;
	v33 =	vadd.s32 v3, v15;
	v29 =	vld.idx.msk [tilespmem:v51+s2+$0x0], $0xffff  }
.LBB2_3:
0x51: {  	v5 =	vld [tilespmem:$0x1FF40]  }
0x52: {  	v6 =	vld [tilespmem:$0x1FF70]  }
0x53: {  	v10 =	vld [tilespmem:$0x1FF90]  }
0x54: {  	v49 =	vld.idx.msk [tilespmem:v16+s2+$0x0], $0xffff  }
0x55: {  	v7 =	vld [tilespmem:$0x1FF80]  }
0x56: {  	v8 =	vld [tilespmem:$0x1FFA0]  }
0x57: {  	v45 =	vld.idx.msk [tilespmem:v45+s2+$0x0], $0xffff  }
0x58: {  	v12 =	vld [tilespmem:$0x1FFB0]  }
0x59: {  	v9 =	vld [tilespmem:$0x1FFD0]  }
0x5a: {  	v46 =	vld.idx.msk [tilespmem:v46+s2+$0x0], $0xffff  }
0x5b: {  	v13 =	vld [tilespmem:$0x1FFC0]  }
0x5c: {  	v57 =	vld.idx.msk [tilespmem:v36+s2+$0x0], $0xffff  }
0x5d: {  	v1 =	vmov v62;
	v62 =	vld.idx.msk [tilespmem:v33+s2+$0x0], $0xffff;
	v18 =	vadd.f32 v19, v18  }
0x5e: {  	v11 =	vld [tilespmem:$0x1FF50];
	v22 =	vadd.f32 v26, v22;
	v26 =	vadd.f32 v28, v27  }
0x5f: {  	v27 =	vadd.f32 v31, v30;
	v28 =	vld.idx.msk [tilespmem:v43+s2+$0x0], $0xffff;
	v31 =	vadd.f32 v37, v34;
	v32 =	vadd.s32 v10, v15  }
0x60: {  	v18 =	vadd.f32 v18, v24;
	v24 =	vld.idx.msk [tilespmem:v42+s2+$0x0], $0xffff;
	v16 =	vadd.s32 v12, v15;
	v54 =	vadd.s32 v13, v15  }
0x61: {  	v22 =	vadd.f32 v26, v22;
	v26 =	vadd.f32 v31, v27;
	v27 =	vmov s15;
	v31 =	vld.idx.msk [tilespmem:v41+s2+$0x0], $0xffff  }
0x62: {  	v58 =	vadd.s32 v5, v15;
	v18 =	vadd.f32 v18, v20;
	v20 =	vshll.u32 v27, $0x3;
	v27 =	vld.idx.msk [tilespmem:v40+s2+$0x0], $0xffff  }
0x63: {  	v17 =	vadd.f32 v17, v35;
	v22 =	vadd.f32 v26, v22;
	v26 =	vld.idx.msk [tilespmem:v38+s2+$0x0], $0xffff  }
0x64: {  	v47 =	vadd.s32 v5, v25;
	v48 =	vadd.s32 v6, v23;
	v50 =	vadd.s32 v7, v23;
	v0 =	vld.idx.msk [tilespmem:v32+s2+$0x0], $0xffff  }
0x65: {  	v51 =	vadd.s32 v8, v23;
	v61 =	vadd.s32 v5, v23;
	v36 =	vadd.s32 v5, v21;
	v5 =	vld.idx.msk [tilespmem:v16+s2+$0x0], $0xffff  }
0x66: {  	v52 =	vadd.s32 v9, v23;
	v53 =	vadd.s32 v10, v23;
	v30 =	vadd.s32 v11, v15;
	v54 =	vld.idx.msk [tilespmem:v54+s2+$0x0], $0xffff  }
0x67: {  	v55 =	vadd.s32 v12, v23;
	v56 =	vadd.s32 v13, v23;
	v59 =	vadd.s32 v6, v21;
	v19 =	vld.idx.msk [tilespmem:v58+s2+$0x0], $0xffff  }
0x68: {  	v60 =	vadd.s32 v7, v21;
	v16 =	vadd.s32 v11, v23;
	v22 =	vadd.f32 v22, v49;
	v49 =	vld [tilespmem:$0x1FF60]  }
0x69: {  	v33 =	vadd.s32 v11, v25;
	[tilespmem:$0x1FF30] =	vst v16;
	v16 =	vadd.s32 v11, v21;
	v11 =	vld.idx.msk [tilespmem:v44+s2+$0x0], $0xffff  }
0x6a: {  	v63 =	vadd.s32 v8, v21;
	v2 =	vadd.s32 v9, v21;
	v44 =	vadd.f32 v62, v57;
	v57 =	vld [tilespmem:$0x1FFE0]  }
0x6b: {  	v3 =	vadd.s32 v10, v21;
	v4 =	vadd.s32 v12, v21;
	v43 =	vadd.f32 v46, v45;
	v30 =	vld.idx.msk [tilespmem:v30+s2+$0x0], $0xffff  }
0x6c: {  	v46 =	vand.u32 $0x7F, v15;
	v20 =	vand.u32 $0x400, v20;
	v15 =	vld.idx.msk [tilespmem:v47+s2+$0x0], $0xffff;
	v24 =	vadd.f32 v31, v24  }
0x6d: {  	v31 =	vld.idx.msk [tilespmem:v48+s2+$0x0], $0xffff;
	[tilespmem:v1+s11+$0x0] =	vst.idx.msk $0xffff, v22;
	v0 =	vadd.f32 v5, v0;
	v45 =	vadd.f32 v19, v54  }
0x6e: {  	v18 =	vadd.f32 v18, v29;
	v32 =	vadd.s32 v13, v21;
	v22 =	vld.idx.msk [tilespmem:v59+s2+$0x0], $0xffff;
	v28 =	vadd.f32 v11, v28  }
0x6f: {  	v29 =	vadd.f32 v44, v43;
	v19 =	vor.u32 v57, v20;
	v20 =	vld.idx.msk [tilespmem:v39+s2+$0x0], $0xffff;
	v0 =	vadd.f32 v45, v0  }
0x70: {  	v21 =	vand.u32 $0x7F, v21;
	[tilespmem:v49+s11+$0x0] =	vst.idx.msk $0xffff, v17;
	v17 =	vadd.f32 v24, v28;
	v24 =	vld.idx.msk [tilespmem:v51+s2+$0x0], $0xffff  }
0x71: {  	v21 =	vor.u32 v21, v19;
	v0 =	vadd.f32 v0, v29;
	v29 =	vld.idx.msk [tilespmem:v50+s2+$0x0], $0xffff;
	[tilespmem:v14+s11+$0x0] =	vst.idx.msk $0xffff, v18  }
0x72: {  	v62 =	vmov v21;
	v21 =	vld.idx.msk [tilespmem:v53+s2+$0x0], $0xffff  }
0x73: {  	v5 =	vor.u32 v19, v46;
	v53 =	vld.idx.msk [tilespmem:v55+s2+$0x0], $0xffff  }
0x74: {  	v25 =	vand.u32 $0x7F, v25;
	v23 =	vand.u32 $0x7F, v23;
	v18 =	vld.idx.msk [tilespmem:v56+s2+$0x0], $0xffff  }
0x75: {  	v23 =	vor.u32 v19, v23;
	v50 =	vor.u32 v19, v25;
	v19 =	vadd.f32 v20, v27;
	v20 =	vld.idx.msk [tilespmem:v52+s2+$0x0], $0xffff  }
0x76: {  	s17 =	sadd.s32 $0x2, s16;
	v56 =	vlaneseq.u32;
	v0 =	vadd.f32 v0, v30;
	v52 =	vadd.f32 v15, v26;
	v26 =	vld.idx.msk [tilespmem:v60+s2+$0x0], $0xffff  }
0x77: {  	s31 =	sadd.s32 $0x3, s16;
	v14 =	vmov v23;
	v23 =	vadd.s32 s16, v56;
	v25 =	vadd.s32 s17, v56;
	v27 =	vld.idx.msk [tilespmem:v63+s2+$0x0], $0xffff  }
0x78: {  	s30 =	sadd.s32 $0x1, s16;
	v30 =	vadd.s32 s31, v56;
	v63 =	vld [tilespmem:$0x1FF30];
	v60 =	vand.u32 $0xF, v25;
	[tilespmem:v5+s11+$0x0] =	vst.idx.msk $0xffff, v0;
	v0 =	vadd.f32 v52, v19  }
0x79: {  	v37 =	vld.idx.msk [tilespmem:v36+s2+$0x0], $0xffff;
	v15 =	vadd.f32 v29, v31;
	v29 =	vand.u32 $0xF, v23;
	v23 =	vadd.s32 s30, v56  }
0x7a: {  	s15 =	sand.u32 $0xF0, s16;
	v19 =	vld.idx.msk [tilespmem:v61+s2+$0x0], $0xffff;
	v61 =	vand.u32 $0xF, v30;
	v17 =	vadd.f32 v0, v17;
	v59 =	vand.u32 $0xF, v23  }
0x7b: {  	p0 =	slt.u32 s16, $0xFC;
	v34 =	vld.idx.msk [tilespmem:v32+s2+$0x0], $0xffff;
	v23 =	vor.u32 s15, v60;
	v58 =	vadd.f32 v20, v24;
	v25 =	vor.u32 s15, v59  }
.Ltmp0:
0x7c: {  	v28 =	vld.idx.msk [tilespmem:v2+s2+$0x0], $0xffff;
	v24 =	vadd.f32 v53, v21;
	v21 =	vor.u32 s15, v29;
	v43 =	vadd.s32 v6, v25;
	(pc) =	sbr.rel @p0 .LBB2_3-.Ltmp0, $4  }
0x7d: {  	v35 =	vld.idx.msk [tilespmem:v33+s2+$0x0], $0xffff;
	v44 =	vadd.s32 v7, v25;
	v42 =	vadd.s32 v8, v25;
	v41 =	vadd.s32 v9, v25  }
0x7e: {  	[tilespmem:$0x1FF60] =	vst v50;
	v30 =	vld.idx.msk [tilespmem:v3+s2+$0x0], $0xffff;
	v40 =	vadd.s32 v10, v25;
	v20 =	vadd.f32 v58, v15;
	v15 =	vor.u32 s15, v61  }
0x7f: {  	v31 =	vld.idx.msk [tilespmem:v4+s2+$0x0], $0xffff;
	v39 =	vadd.s32 v12, v25;
	v38 =	vadd.s32 v13, v25;
	v45 =	vadd.s32 v6, v15  }
0x80: {  	s16 =	sadd.s32 $0x4, s16;
	v46 =	vadd.s32 v7, v15;
	v36 =	vadd.s32 v8, v15;
	v33 =	vadd.s32 v9, v15;
	v29 =	vld.idx.msk [tilespmem:v63+s2+$0x0], $0xffff  }
0x81: {  	_ =	sdelay $0x2  }
0x82: {  	v10 =	vld [tilespmem:$0x1FF90]  }
0x83: {  	v1 =	vld.idx.msk [tilespmem:v16+s2+$0x0], $0xffff  }
0x84: {  	v2 =	vld.idx.msk [tilespmem:v45+s2+$0x0], $0xffff  }
0x85: {  	v11 =	vld [tilespmem:$0x1FFB0]  }
0x86: {  	v4 =	vld.idx.msk [tilespmem:v46+s2+$0x0], $0xffff  }
0x87: {  	v12 =	vld [tilespmem:$0x1FFC0]  }
0x88: {  	v16 =	vld.idx.msk [tilespmem:v36+s2+$0x0], $0xffff  }
0x89: {  	v58 =	vld [tilespmem:$0x1FF40]  }
0x8a: {  	v33 =	vld.idx.msk [tilespmem:v33+s2+$0x0], $0xffff  }
0x8b: {  	v36 =	vld.idx.msk [tilespmem:v43+s2+$0x0], $0xffff  }
0x8c: {  	v43 =	vld.idx.msk [tilespmem:v44+s2+$0x0], $0xffff  }
0x8d: {  	v42 =	vld.idx.msk [tilespmem:v42+s2+$0x0], $0xffff  }
0x8e: {  	v6 =	vld [tilespmem:$0x1FF70]  }
0x8f: {  	v41 =	vld.idx.msk [tilespmem:v41+s2+$0x0], $0xffff  }
0x90: {  	v7 =	vld [tilespmem:$0x1FF80]  }
0x91: {  	v40 =	vld.idx.msk [tilespmem:v40+s2+$0x0], $0xffff;
	v0 =	vadd.s32 v10, v15  }
0x92: {  	v8 =	vld [tilespmem:$0x1FFA0];
	v3 =	vadd.s32 v11, v15  }
0x93: {  	v39 =	vld.idx.msk [tilespmem:v39+s2+$0x0], $0xffff;
	v5 =	vadd.s32 v12, v15  }
0x94: {  	v9 =	vld [tilespmem:$0x1FFD0];
	v32 =	vadd.s32 v58, v15  }
0x95: {  	v38 =	vld.idx.msk [tilespmem:v38+s2+$0x0], $0xffff;
	v55 =	vadd.s32 v58, v25  }
0x96: {  	v59 =	vadd.s32 v6, v23;
	v0 =	vld.idx.msk [tilespmem:v0+s2+$0x0], $0xffff  }
0x97: {  	v60 =	vadd.s32 v7, v23;
	v3 =	vld.idx.msk [tilespmem:v3+s2+$0x0], $0xffff  }
0x98: {  	v47 =	vadd.s32 v8, v23;
	v5 =	vld.idx.msk [tilespmem:v5+s2+$0x0], $0xffff  }
0x99: {  	v48 =	vadd.s32 v9, v23;
	v32 =	vld.idx.msk [tilespmem:v32+s2+$0x0], $0xffff  }
0x9a: {  	v49 =	vadd.s32 v10, v23;
	v44 =	vld.idx.msk [tilespmem:v55+s2+$0x0], $0xffff  }
0x9b: {  	v45 =	vld.idx.msk [tilespmem:v59+s2+$0x0], $0xffff  }
0x9c: {  	v22 =	vadd.f32 v26, v22;
	v51 =	vadd.s32 v12, v23;
	v46 =	vld.idx.msk [tilespmem:v60+s2+$0x0], $0xffff  }
0x9d: {  	v18 =	vadd.f32 v19, v18;
	v19 =	vadd.f32 v28, v27;
	v54 =	vadd.s32 v58, v23;
	v47 =	vld.idx.msk [tilespmem:v47+s2+$0x0], $0xffff  }
0x9e: {  	v17 =	vadd.f32 v17, v35;
	v52 =	vadd.s32 v6, v21;
	v26 =	vld.idx.msk [tilespmem:v48+s2+$0x0], $0xffff  }
0x9f: {  	v19 =	vadd.f32 v19, v22;
	v18 =	vadd.f32 v18, v24;
	v53 =	vadd.s32 v7, v21;
	v27 =	vld.idx.msk [tilespmem:v49+s2+$0x0], $0xffff  }
0xa0: {  	v28 =	vadd.f32 v31, v30;
	v30 =	vadd.f32 v37, v34;
	v61 =	vadd.s32 v9, v21;
	v49 =	vld [tilespmem:$0x1FF50]  }
0xa1: {  	v18 =	vadd.f32 v18, v20;
	v50 =	vadd.s32 v11, v23;
	v63 =	vadd.s32 v10, v21;
	v22 =	vld.idx.msk [tilespmem:v51+s2+$0x0], $0xffff  }
0xa2: {  	v10 =	vadd.s32 v11, v21;
	v28 =	vadd.f32 v30, v28;
	v2 =	vadd.f32 v4, v2;
	v30 =	vld.idx.msk [tilespmem:v54+s2+$0x0], $0xffff  }
0xa3: {  	v11 =	vadd.s32 v12, v21;
	v16 =	vadd.f32 v33, v16;
	v18 =	vadd.f32 v18, v29;
	v59 =	vld.idx.msk [tilespmem:v52+s2+$0x0], $0xffff  }
0xa4: {  	v29 =	vadd.f32 v41, v42;
	v19 =	vadd.f32 v28, v19;
	v60 =	vld.idx.msk [tilespmem:v53+s2+$0x0], $0xffff  }
0xa5: {  	v2 =	vadd.f32 v16, v2;
	v16 =	vmov s15;
	v55 =	vadd.s32 v8, v21;
	v6 =	vld.idx.msk [tilespmem:v61+s2+$0x0], $0xffff  }
0xa6: {  	v28 =	vadd.f32 v43, v36;
	v16 =	vshll.u32 v16, $0x3;
	v48 =	vadd.s32 v58, v21;
	v7 =	vld.idx.msk [tilespmem:v63+s2+$0x0], $0xffff  }
0xa7: {  	v20 =	vand.u32 $0x7F, v25;
	v1 =	vadd.f32 v19, v1;
	v37 =	vand.u32 $0x400, v16;
	v10 =	vld.idx.msk [tilespmem:v10+s2+$0x0], $0xffff  }
0xa8: {  	v16 =	vadd.f32 v29, v28;
	v61 =	vadd.f32 v39, v40;
	v36 =	vld.idx.msk [tilespmem:v11+s2+$0x0], $0xffff;
	v11 =	vor.u32 v57, v37  }
0xa9: {  	v31 =	vld.idx.msk [tilespmem:v50+s2+$0x0], $0xffff;
	v20 =	vor.u32 v11, v20;
	v9 =	vadd.s32 v49, v15;
	v0 =	vadd.f32 v3, v0  }
0xaa: {  	v50 =	vadd.s32 v49, v25;
	v5 =	vadd.f32 v32, v5;
	v25 =	vld.idx.msk [tilespmem:v55+s2+$0x0], $0xffff;
	v63 =	vadd.f32 v44, v38  }
0xab: {  	v24 =	vadd.s32 v49, v23;
	v8 =	vld.idx.msk [tilespmem:v48+s2+$0x0], $0xffff;
	v38 =	vadd.f32 v46, v45;
	v3 =	vadd.f32 v60, v59  }
0xac: {  	v12 =	vld [tilespmem:$0x1FF60];
	v58 =	vadd.s32 v49, v21;
	v0 =	vadd.f32 v5, v0;
	v19 =	vadd.f32 v63, v61  }
0xad: {  	[tilespmem:v14+s11+$0x0] =	vst.idx.msk $0xffff, v18;
	v21 =	vand.u32 $0x7F, v21;
	v22 =	vadd.f32 v30, v22;
	v7 =	vadd.f32 v10, v7  }
0xae: {  	v15 =	vand.u32 $0x7F, v15;
	v0 =	vadd.f32 v0, v2;
	v16 =	vadd.f32 v19, v16;
	v9 =	vld.idx.msk [tilespmem:v9+s2+$0x0], $0xffff  }
0xaf: {  	v39 =	vor.u32 v21, v11;
	v19 =	vadd.f32 v26, v47;
	v26 =	vadd.f32 v31, v27;
	v21 =	vld.idx.msk [tilespmem:v50+s2+$0x0], $0xffff  }
0xb0: {  	v15 =	vor.u32 v11, v15;
	v6 =	vadd.f32 v6, v25;
	v24 =	vld.idx.msk [tilespmem:v24+s2+$0x0], $0xffff;
	v5 =	vadd.f32 v8, v36  }
0xb1: {  	v23 =	vand.u32 $0x7F, v23;
	v41 =	vld.idx.msk [tilespmem:v58+s2+$0x0], $0xffff;
	v2 =	vadd.f32 v19, v38;
	v42 =	vadd.f32 v22, v26  }
0xb2: {  	v40 =	vor.u32 v11, v23;
	v3 =	vadd.f32 v6, v3;
	v5 =	vadd.f32 v5, v7  }
0xb3: {  	[tilespmem:v62+s11+$0x0] =	vst.idx.msk $0xffff, v1;
	v2 =	vadd.f32 v42, v2;
	v0 =	vadd.f32 v0, v9  }
0xb4: {  	[tilespmem:v12+s11+$0x0] =	vst.idx.msk $0xffff, v17;
	v3 =	vadd.f32 v5, v3;
	v43 =	vadd.f32 v16, v21  }
0xb5: {  	v44 =	vadd.f32 v2, v24;
	[tilespmem:v15+s11+$0x0] =	vst.idx.msk $0xffff, v0  }
0xb6: {  	v45 =	vadd.f32 v3, v41;
	[tilespmem:v20+s11+$0x0] =	vst.idx.msk $0xffff, v43  }
0xb7: {  	[tilespmem:v40+s11+$0x0] =	vst.idx.msk $0xffff, v44  }
0xb8: {  	[tilespmem:v39+s11+$0x0] =	vst.idx.msk $0xffff, v45  }
0xb9: {  	v0 =	vld [tilespmem:$0xB110]  }
0xba: {  	v1 =	vld [tilespmem:$0xB190]  }
0xbb: {  	v2 =	vld [tilespmem:$0xB210]  }
0xbc: {  	s24 =	simm.s32 $0x3;
	v46 =	vld [tilespmem:$0xB290]  }
0xbd: {  	s16 =	simm.s32 $0x0;
	v50 =	vadd.s32 s24, v56;
	v47 =	vld [tilespmem:$0xB310]  }
0xbe: {  	s25 =	sand.u32 $0xF0, s16;
	v51 =	vand.u32 $0xF, v50;
	v8 =	vld [tilespmem:$0xB390];
	v5 =	vmul.u32 $0x101, v0  }
0xbf: {  	v52 =	vld [tilespmem:$0xB410];
	v4 =	vmul.u32 $0x101, v1;
	v0 =	vor.u32 s25, v51  }
0xc0: {  	v53 =	vld [tilespmem:$0xB490];
	v50 =	vmul.u32 $0x101, v2;
	v54 =	vadd.s32 v5, v0  }
0xc1: {  	v6 =	vmul.u32 $0x101, v46;
	v12 =	vadd.s32 v4, v0  }
0xc2: {  	v7 =	vmul.u32 $0x101, v47;
	v13 =	vadd.s32 v50, v0  }
0xc3: {  	v10 =	vmul.u32 $0x101, v8;
	v14 =	vadd.s32 v6, v0  }
0xc4: {  	s17 =	simm.s32 $0x1;
	v15 =	vld [tilespmem:$0xB510];
	v11 =	vmul.u32 $0x101, v52;
	v55 =	vadd.s32 v7, v0  }
0xc5: {  	v58 =	vadd.s32 s17, v56;
	v57 =	vmul.u32 $0x101, v53;
	v16 =	vadd.s32 v10, v0;
	v2 =	vld.idx.msk [tilespmem:v54+s2+$0x0], $0xffff  }
0xc6: {  	v1 =	vand.u32 $0xF, v58;
	v17 =	vadd.s32 v11, v0;
	v12 =	vld.idx.msk [tilespmem:v12+s2+$0x0], $0xffff  }
0xc7: {  	v1 =	vor.u32 s25, v1;
	v18 =	vadd.s32 v57, v0;
	v13 =	vld.idx.msk [tilespmem:v13+s2+$0x0], $0xffff  }
0xc8: {  	v19 =	vadd.s32 v5, v1;
	v14 =	vld.idx.msk [tilespmem:v14+s2+$0x0], $0xffff  }
0xc9: {  	v20 =	vadd.s32 v4, v1;
	v21 =	vld.idx.msk [tilespmem:v55+s2+$0x0], $0xffff  }
0xca: {  	v22 =	vadd.s32 v50, v1;
	v23 =	vld.idx.msk [tilespmem:v16+s2+$0x0], $0xffff  }
0xcb: {  	v8 =	vmul.u32 $0x101, v15;
	v15 =	vadd.s32 v6, v1;
	v17 =	vld.idx.msk [tilespmem:v17+s2+$0x0], $0xffff  }
0xcc: {  	s26 =	simm.s32 $0x2;
	v25 =	vadd.s32 v7, v1;
	v16 =	vadd.s32 s16, v56;
	v18 =	vld.idx.msk [tilespmem:v18+s2+$0x0], $0xffff  }
0xcd: {  	v24 =	vadd.s32 s26, v56;
	v26 =	vadd.s32 v8, v0;
	v19 =	vld.idx.msk [tilespmem:v19+s2+$0x0], $0xffff;
	v16 =	vand.u32 $0xF, v16  }
0xce: {  	v24 =	vand.u32 $0xF, v24;
	v20 =	vld.idx.msk [tilespmem:v20+s2+$0x0], $0xffff;
	v27 =	vor.u32 s25, v16;
	v16 =	vadd.s32 v10, v1  }
0xcf: {  	v24 =	vor.u32 s25, v24;
	v28 =	vadd.s32 v11, v1;
	v22 =	vld.idx.msk [tilespmem:v22+s2+$0x0], $0xffff  }
0xd0: {  	v29 =	vadd.s32 v57, v1;
	v30 =	vadd.s32 v5, v24;
	v59 =	vadd.s32 v6, v24;
	v15 =	vld.idx.msk [tilespmem:v15+s2+$0x0], $0xffff  }
0xd1: {  	v31 =	vadd.s32 v4, v24;
	v32 =	vadd.s32 v50, v24;
	v25 =	vld.idx.msk [tilespmem:v25+s2+$0x0], $0xffff;
	v37 =	vadd.s32 v5, v27  }
0xd2: {  	v26 =	vld.idx.msk [tilespmem:v26+s2+$0x0], $0xffff;
	v61 =	vadd.s32 v4, v27;
	v40 =	vadd.s32 v50, v27;
	v63 =	vadd.s32 v6, v27  }
0xd3: {  	v9 =	vadd.s32 v7, v27;
	v53 =	vadd.s32 v10, v27;
	v52 =	vld.idx.msk [tilespmem:v16+s2+$0x0], $0xffff;
	[tilespmem:$0x1FE80] =	vst v57  }
0xd4: {  	v54 =	vadd.s32 v11, v27;
	v55 =	vadd.s32 v57, v27;
	v28 =	vld.idx.msk [tilespmem:v28+s2+$0x0], $0xffff;
	[tilespmem:$0x1FE90] =	vst v8  }
0xd5: {  	v17 =	vadd.f32 v18, v17;
	v18 =	vand.u32 $0x7F, v27;
	v16 =	vadd.s32 v8, v27;
	v27 =	vld.idx.msk [tilespmem:v59+s2+$0x0], $0xffff  }
0xd6: {  	v34 =	vadd.s32 v7, v24;
	v35 =	vadd.s32 v10, v24;
	v60 =	vadd.s32 v11, v24;
	v59 =	vld [tilespmem:$0x1FFF0]  }
0xd7: {  	v62 =	vadd.s32 v57, v24;
	v58 =	vadd.s32 v8, v24;
	v2 =	vadd.f32 v12, v2  }
0xd8: {  	v12 =	vadd.f32 v14, v13;
	v13 =	vmov s25;
	v14 =	vadd.f32 v23, v21;
	v29 =	vld.idx.msk [tilespmem:v29+s2+$0x0], $0xffff  }
0xd9: {  	v23 =	vand.u32 $0x7F, v24;
	v19 =	vadd.f32 v20, v19;
	v13 =	vshll.u32 v13, $0x3;
	v30 =	vld.idx.msk [tilespmem:v30+s2+$0x0], $0xffff  }
0xda: {  	v15 =	vadd.f32 v15, v22;
	v57 =	vadd.s32 v8, v1;
	v13 =	vand.u32 $0x400, v13;
	v21 =	vld.idx.msk [tilespmem:v31+s2+$0x0], $0xffff  }
0xdb: {  	v1 =	vand.u32 $0x7F, v1;
	v14 =	vadd.f32 v17, v14;
	v24 =	vld.idx.msk [tilespmem:v32+s2+$0x0], $0xffff;
	v17 =	vor.u32 v59, v13  }
0xdc: {  	v2 =	vadd.f32 v12, v2;
	v20 =	vld.idx.msk [tilespmem:v34+s2+$0x0], $0xffff;
	v22 =	vadd.f32 v52, v25;
	v3 =	vor.u32 v18, v17  }
0xdd: {  	v25 =	vadd.f32 v29, v28;
	v29 =	vld.idx.msk [tilespmem:v35+s2+$0x0], $0xffff;
	v1 =	vor.u32 v17, v1;
	[tilespmem:$0x1FEA0] =	vst v3  }
0xde: {  	v0 =	vand.u32 $0x7F, v0;
	v18 =	vld.idx.msk [tilespmem:v60+s2+$0x0], $0xffff;
	[tilespmem:$0x1FEB0] =	vst v1  }
0xdf: {  	v2 =	vadd.f32 v14, v2;
	v0 =	vor.u32 v17, v0;
	v60 =	vadd.f32 v15, v19;
	v19 =	vld.idx.msk [tilespmem:v62+s2+$0x0], $0xffff  }
0xe0: {  	v15 =	vadd.f32 v25, v22;
	v22 =	vld.idx.msk [tilespmem:v37+s2+$0x0], $0xffff  }
0xe1: {  	v2 =	vadd.f32 v2, v26;
	v26 =	vld.idx.msk [tilespmem:v61+s2+$0x0], $0xffff  }
0xe2: {  	v61 =	vadd.f32 v27, v24;
	v27 =	vld.idx.msk [tilespmem:v40+s2+$0x0], $0xffff  }
0xe3: {  	s28 =	simm.s32 $0x4;
	s31 =	simm.s32 $0x7;
	v21 =	vadd.f32 v21, v30;
	v28 =	vld.idx.msk [tilespmem:v63+s2+$0x0], $0xffff  }
0xe4: {  	s30 =	simm.s32 $0x6;
	v14 =	vor.u32 v17, v23;
	v23 =	vadd.s32 s28, v56;
	v25 =	vadd.s32 s31, v56;
	v30 =	vld.idx.msk [tilespmem:v9+s2+$0x0], $0xffff;
	[tilespmem:v0+s11+$0x0] =	vst.idx.msk $0xffff, v2  }
0xe5: {  	s29 =	simm.s32 $0x5;
	v62 =	vand.u32 $0xF, v23;
	v23 =	vadd.s32 s30, v56;
	v31 =	vld.idx.msk [tilespmem:v53+s2+$0x0], $0xffff;
	v17 =	vadd.f32 v15, v60;
	[tilespmem:$0x1FEC0] =	vst v5  }
0xe6: {  	v15 =	vadd.s32 s29, v56;
	v24 =	vadd.f32 v29, v20;
	v20 =	vadd.f32 v61, v21;
	v34 =	vld.idx.msk [tilespmem:v54+s2+$0x0], $0xffff;
	[tilespmem:$0x1FED0] =	vst v4  }
0xe7: {  	s15 =	sand.u32 $0xF0, s28;
	v63 =	vand.u32 $0xF, v15;
	v15 =	vand.u32 $0xF, v23;
	v21 =	vand.u32 $0xF, v25;
	v37 =	vld.idx.msk [tilespmem:v55+s2+$0x0], $0xffff;
	[tilespmem:$0x1FEE0] =	vst v7  }
0xe8: {  	v25 =	vor.u32 s15, v63;
	v23 =	vor.u32 s15, v15;
	v15 =	vor.u32 s15, v21;
	[tilespmem:$0x1FEF0] =	vst v50  }
0xe9: {  	v21 =	vor.u32 s15, v62;
	v43 =	vadd.s32 v5, v25;
	v45 =	vadd.s32 v5, v15;
	v35 =	vld.idx.msk [tilespmem:v57+s2+$0x0], $0xffff;
	[tilespmem:$0x1FF00] =	vst v10  }
0xea: {  	v44 =	vadd.s32 v4, v25;
	v42 =	vadd.s32 v50, v25;
	v46 =	vadd.s32 v4, v15;
	[tilespmem:$0x1FF10] =	vst v11  }
0xeb: {  	v41 =	vadd.s32 v6, v25;
	v40 =	vadd.s32 v7, v25;
	v36 =	vadd.s32 v50, v15;
	[tilespmem:$0x1FF20] =	vst v6  }
0xec: {  	s16 =	simm.s32 $0x8;
	v39 =	vadd.s32 v10, v25;
	v38 =	vadd.s32 v11, v25;
	v33 =	vadd.s32 v6, v15;
	v29 =	vld.idx.msk [tilespmem:v58+s2+$0x0], $0xffff  }
.LBB2_5:
0xed: {  	v4 =	vld [tilespmem:$0x1FE80]  }
0xee: {  	v6 =	vld [tilespmem:$0x1FEC0]  }
0xef: {  	v10 =	vld [tilespmem:$0x1FEE0]  }
0xf0: {  	v47 =	vld.idx.msk [tilespmem:v16+s2+$0x0], $0xffff  }
0xf1: {  	v7 =	vld [tilespmem:$0x1FED0]  }
0xf2: {  	v8 =	vld [tilespmem:$0x1FEF0]  }
0xf3: {  	v12 =	vld [tilespmem:$0x1FF00]  }
0xf4: {  	v13 =	vld [tilespmem:$0x1FF10]  }
0xf5: {  	v54 =	vld.idx.msk [tilespmem:v36+s2+$0x0], $0xffff  }
0xf6: {  	v59 =	vld.idx.msk [tilespmem:v33+s2+$0x0], $0xffff  }
0xf7: {  	v45 =	vld.idx.msk [tilespmem:v45+s2+$0x0], $0xffff;
	v2 =	vadd.s32 v10, v15  }
0xf8: {  	v46 =	vld.idx.msk [tilespmem:v46+s2+$0x0], $0xffff;
	v16 =	vadd.s32 v12, v15  }
0xf9: {  	v11 =	vld [tilespmem:$0x1FE90];
	v32 =	vadd.s32 v13, v15  }
0xfa: {  	v22 =	vadd.f32 v26, v22;
	v26 =	vadd.f32 v28, v27;
	v28 =	vld.idx.msk [tilespmem:v43+s2+$0x0], $0xffff;
	v55 =	vadd.s32 v4, v15  }
0xfb: {  	v43 =	vadd.f32 v59, v54;
	v59 =	vld [tilespmem:$0x1FFF0]  }
0xfc: {  	v2 =	vld.idx.msk [tilespmem:v2+s2+$0x0], $0xffff  }
0xfd: {  	v0 =	vadd.s32 v4, v25;
	v58 =	vadd.s32 v4, v23;
	v36 =	vadd.s32 v4, v21;
	v4 =	vld.idx.msk [tilespmem:v16+s2+$0x0], $0xffff  }
0xfe: {  	v18 =	vadd.f32 v19, v18;
	v5 =	vld.idx.msk [tilespmem:v32+s2+$0x0], $0xffff  }
0xff: {  	v27 =	vadd.f32 v31, v30;
	v31 =	vadd.f32 v37, v34;
	v48 =	vadd.s32 v7, v23;
	v19 =	vld.idx.msk [tilespmem:v55+s2+$0x0], $0xffff  }
0x100: {  	v49 =	vadd.s32 v8, v23;
	v33 =	vadd.s32 v11, v25;
	v18 =	vadd.f32 v18, v24;
	v24 =	vld.idx.msk [tilespmem:v42+s2+$0x0], $0xffff  }
0x101: {  	v30 =	vadd.s32 v11, v15;
	v22 =	vadd.f32 v26, v22;
	v26 =	vadd.f32 v31, v27;
	v31 =	vld.idx.msk [tilespmem:v41+s2+$0x0], $0xffff  }
0x102: {  	v27 =	vmov s15;
	v32 =	vadd.s32 v11, v23;
	v16 =	vadd.s32 v11, v21;
	v11 =	vld.idx.msk [tilespmem:v44+s2+$0x0], $0xffff  }
0x103: {  	v9 =	vld [tilespmem:$0x1FF20];
	v42 =	vadd.f32 v46, v45;
	v18 =	vadd.f32 v18, v20;
	v20 =	vshll.u32 v27, $0x3  }
0x104: {  	v27 =	vld.idx.msk [tilespmem:v40+s2+$0x0], $0xffff;
	v20 =	vand.u32 $0x400, v20;
	v2 =	vadd.f32 v4, v2;
	v44 =	vadd.f32 v19, v5  }
0x105: {  	v45 =	vor.u32 v59, v20;
	v20 =	vadd.f32 v26, v22;
	v22 =	vld.idx.msk [tilespmem:v38+s2+$0x0], $0xffff;
	v26 =	vadd.f32 v43, v42  }
0x106: {  	v0 =	vld.idx.msk [tilespmem:v0+s2+$0x0], $0xffff;
	v24 =	vadd.f32 v31, v24;
	v2 =	vadd.f32 v44, v2  }
0x107: {  	v46 =	vand.u32 $0x7F, v15;
	v20 =	vadd.f32 v20, v47;
	v47 =	vld [tilespmem:$0x1FEB0];
	v15 =	vadd.f32 v11, v28  }
0x108: {  	v1 =	vadd.s32 v6, v23;
	v2 =	vadd.f32 v2, v26;
	v26 =	vld.idx.msk [tilespmem:v48+s2+$0x0], $0xffff  }
0x109: {  	v50 =	vadd.s32 v9, v23;
	v48 =	vadd.f32 v24, v15;
	v15 =	vld.idx.msk [tilespmem:v49+s2+$0x0], $0xffff  }
0x10a: {  	v52 =	vadd.s32 v12, v23;
	v49 =	vld [tilespmem:$0x1FEA0]  }
0x10b: {  	v17 =	vadd.f32 v17, v35;
	v53 =	vadd.s32 v13, v23;
	v18 =	vadd.f32 v18, v29;
	v19 =	vld.idx.msk [tilespmem:v39+s2+$0x0], $0xffff  }
0x10c: {  	v51 =	vadd.s32 v10, v23;
	v56 =	vadd.s32 v6, v21;
	v57 =	vadd.s32 v7, v21;
	v30 =	vld.idx.msk [tilespmem:v30+s2+$0x0], $0xffff  }
0x10d: {  	v60 =	vadd.s32 v8, v21;
	v61 =	vadd.s32 v9, v21;
	v1 =	vld.idx.msk [tilespmem:v1+s2+$0x0], $0xffff;
	[tilespmem:v14+s11+$0x0] =	vst.idx.msk $0xffff, v18  }
0x10e: {  	v62 =	vadd.s32 v10, v21;
	v63 =	vadd.s32 v12, v21;
	v3 =	vadd.s32 v13, v21;
	v24 =	vld.idx.msk [tilespmem:v50+s2+$0x0], $0xffff  }
0x10f: {  	v25 =	vand.u32 $0x7F, v25;
	v23 =	vand.u32 $0x7F, v23;
	v21 =	vand.u32 $0x7F, v21;
	v52 =	vld.idx.msk [tilespmem:v52+s2+$0x0], $0xffff  }
0x110: {  	v0 =	vadd.f32 v0, v22;
	[tilespmem:v47+s11+$0x0] =	vst.idx.msk $0xffff, v17;
	v17 =	vadd.f32 v19, v27;
	v18 =	vld.idx.msk [tilespmem:v53+s2+$0x0], $0xffff  }
0x111: {  	v21 =	vor.u32 v21, v45;
	v23 =	vor.u32 v45, v23;
	v4 =	vor.u32 v45, v46;
	v19 =	vld.idx.msk [tilespmem:v58+s2+$0x0], $0xffff  }
0x112: {  	v5 =	vor.u32 v45, v25;
	v0 =	vadd.f32 v0, v17;
	[tilespmem:v49+s11+$0x0] =	vst.idx.msk $0xffff, v20;
	v20 =	vld.idx.msk [tilespmem:v51+s2+$0x0], $0xffff  }
0x113: {  	v2 =	vadd.f32 v2, v30;
	v1 =	vadd.f32 v26, v1;
	v22 =	vld.idx.msk [tilespmem:v56+s2+$0x0], $0xffff;
	v56 =	vlaneseq.u32  }
0x114: {  	s30 =	sadd.s32 $0x1, s16;
	s17 =	sadd.s32 $0x2, s16;
	s31 =	sadd.s32 $0x3, s16;
	v29 =	vld.idx.msk [tilespmem:v32+s2+$0x0], $0xffff;
	v17 =	vadd.f32 v0, v48;
	v55 =	vadd.f32 v24, v15;
	v54 =	vadd.s32 s16, v56  }
0x115: {  	v50 =	vmovc v21;
	v26 =	vld.idx.msk [tilespmem:v57+s2+$0x0], $0xffff;
	v57 =	vadd.s32 s30, v56;
	v15 =	vadd.s32 s17, v56;
	v21 =	vadd.s32 s31, v56  }
0x116: {  	s15 =	sand.u32 $0xF0, s16;
	[tilespmem:v4+s11+$0x0] =	vst.idx.msk $0xffff, v2;
	v27 =	vld.idx.msk [tilespmem:v60+s2+$0x0], $0xffff;
	v4 =	vand.u32 $0xF, v54;
	v58 =	vand.u32 $0xF, v57;
	v60 =	vand.u32 $0xF, v15  }
0x117: {  	p0 =	slt.u32 s16, $0xFC;
	[tilespmem:$0x1FEB0] =	vst v5;
	v14 =	vmovc v23;
	v28 =	vld.idx.msk [tilespmem:v61+s2+$0x0], $0xffff;
	v61 =	vand.u32 $0xF, v21;
	v25 =	vor.u32 s15, v58;
	v23 =	vor.u32 s15, v60  }
.Ltmp1:
0x118: {  	[tilespmem:$0x1FEA0] =	vst v50;
	v35 =	vld.idx.msk [tilespmem:v33+s2+$0x0], $0xffff;
	v15 =	vor.u32 s15, v61;
	v21 =	vor.u32 s15, v4;
	v24 =	vadd.f32 v52, v20;
	(pc) =	sbr.rel @p0 .LBB2_5-.Ltmp1, $4  }
0x119: {  	v30 =	vld.idx.msk [tilespmem:v62+s2+$0x0], $0xffff;
	v20 =	vadd.f32 v55, v1;
	v43 =	vadd.s32 v6, v25;
	v45 =	vadd.s32 v6, v15  }
0x11a: {  	v31 =	vld.idx.msk [tilespmem:v63+s2+$0x0], $0xffff;
	v44 =	vadd.s32 v7, v25;
	v42 =	vadd.s32 v8, v25;
	v46 =	vadd.s32 v7, v15  }
0x11b: {  	v37 =	vld.idx.msk [tilespmem:v36+s2+$0x0], $0xffff;
	v41 =	vadd.s32 v9, v25;
	v40 =	vadd.s32 v10, v25;
	v36 =	vadd.s32 v8, v15  }
0x11c: {  	v34 =	vld.idx.msk [tilespmem:v3+s2+$0x0], $0xffff;
	s16 =	sadd.s32 $0x4, s16;
	v39 =	vadd.s32 v12, v25;
	v38 =	vadd.s32 v13, v25;
	v33 =	vadd.s32 v9, v15  }
0x11d: {  	_ =	sdelay $0x2  }
0x11e: {  	v10 =	vld [tilespmem:$0x1FEE0]  }
0x11f: {  	v1 =	vld.idx.msk [tilespmem:v16+s2+$0x0], $0xffff  }
0x120: {  	v2 =	vld.idx.msk [tilespmem:v45+s2+$0x0], $0xffff  }
0x121: {  	v11 =	vld [tilespmem:$0x1FF00]  }
0x122: {  	v4 =	vld.idx.msk [tilespmem:v46+s2+$0x0], $0xffff  }
0x123: {  	v12 =	vld [tilespmem:$0x1FF10]  }
0x124: {  	v60 =	vld.idx.msk [tilespmem:v36+s2+$0x0], $0xffff  }
0x125: {  	v57 =	vld [tilespmem:$0x1FE80]  }
0x126: {  	v33 =	vld.idx.msk [tilespmem:v33+s2+$0x0], $0xffff  }
0x127: {  	v36 =	vld.idx.msk [tilespmem:v43+s2+$0x0], $0xffff  }
0x128: {  	v43 =	vld.idx.msk [tilespmem:v44+s2+$0x0], $0xffff  }
0x129: {  	v42 =	vld.idx.msk [tilespmem:v42+s2+$0x0], $0xffff  }
0x12a: {  	v6 =	vld [tilespmem:$0x1FEC0]  }
0x12b: {  	v41 =	vld.idx.msk [tilespmem:v41+s2+$0x0], $0xffff  }
0x12c: {  	v7 =	vld [tilespmem:$0x1FED0]  }
0x12d: {  	v40 =	vld.idx.msk [tilespmem:v40+s2+$0x0], $0xffff;
	v0 =	vadd.s32 v10, v15  }
0x12e: {  	v8 =	vld [tilespmem:$0x1FEF0];
	v3 =	vadd.s32 v11, v15  }
0x12f: {  	v39 =	vld.idx.msk [tilespmem:v39+s2+$0x0], $0xffff;
	v5 =	vadd.s32 v12, v15  }
0x130: {  	v9 =	vld [tilespmem:$0x1FF20];
	v32 =	vadd.s32 v57, v15  }
0x131: {  	v38 =	vld.idx.msk [tilespmem:v38+s2+$0x0], $0xffff;
	v61 =	vadd.s32 v57, v25  }
0x132: {  	v62 =	vadd.s32 v6, v23;
	v0 =	vld.idx.msk [tilespmem:v0+s2+$0x0], $0xffff  }
0x133: {  	v63 =	vadd.s32 v7, v23;
	v3 =	vld.idx.msk [tilespmem:v3+s2+$0x0], $0xffff  }
0x134: {  	v47 =	vadd.s32 v8, v23;
	v5 =	vld.idx.msk [tilespmem:v5+s2+$0x0], $0xffff  }
0x135: {  	v48 =	vadd.s32 v9, v23;
	v32 =	vld.idx.msk [tilespmem:v32+s2+$0x0], $0xffff  }
0x136: {  	v49 =	vadd.s32 v10, v23;
	v44 =	vld.idx.msk [tilespmem:v61+s2+$0x0], $0xffff  }
0x137: {  	v50 =	vadd.s32 v11, v23;
	v45 =	vld.idx.msk [tilespmem:v62+s2+$0x0], $0xffff  }
0x138: {  	v46 =	vld.idx.msk [tilespmem:v63+s2+$0x0], $0xffff  }
0x139: {  	v51 =	vadd.s32 v12, v23;
	v47 =	vld.idx.msk [tilespmem:v47+s2+$0x0], $0xffff  }
0x13a: {  	v22 =	vadd.f32 v26, v22;
	v13 =	vadd.f32 v28, v27;
	v54 =	vadd.s32 v57, v23;
	v26 =	vld.idx.msk [tilespmem:v48+s2+$0x0], $0xffff  }
0x13b: {  	v52 =	vadd.s32 v6, v21;
	v53 =	vadd.s32 v7, v21;
	v7 =	vadd.s32 v10, v21;
	v27 =	vld.idx.msk [tilespmem:v49+s2+$0x0], $0xffff  }
0x13c: {  	v10 =	vadd.s32 v11, v21;
	v11 =	vadd.s32 v12, v21;
	v48 =	vadd.f32 v31, v30;
	v31 =	vld.idx.msk [tilespmem:v50+s2+$0x0], $0xffff  }
0x13d: {  	v18 =	vadd.f32 v19, v18;
	v19 =	vadd.f32 v13, v22;
	v50 =	vld [tilespmem:$0x1FE90]  }
0x13e: {  	v2 =	vadd.f32 v4, v2;
	v16 =	vadd.f32 v33, v60;
	v22 =	vld.idx.msk [tilespmem:v51+s2+$0x0], $0xffff  }
0x13f: {  	v18 =	vadd.f32 v18, v24;
	v55 =	vadd.s32 v8, v21;
	v12 =	vmov s15;
	v30 =	vld.idx.msk [tilespmem:v54+s2+$0x0], $0xffff  }
0x140: {  	v6 =	vadd.s32 v9, v21;
	v2 =	vadd.f32 v16, v2;
	v16 =	vshll.u32 v12, $0x3;
	v58 =	vld.idx.msk [tilespmem:v52+s2+$0x0], $0xffff  }
0x141: {  	v13 =	vadd.f32 v43, v36;
	v36 =	vadd.f32 v41, v42;
	v43 =	vand.u32 $0x400, v16;
	v42 =	vld.idx.msk [tilespmem:v11+s2+$0x0], $0xffff  }
0x142: {  	v18 =	vadd.f32 v18, v20;
	v11 =	vor.u32 v59, v43;
	v59 =	vld [tilespmem:$0x1FEB0]  }
0x143: {  	v49 =	vadd.f32 v37, v34;
	v60 =	vld.idx.msk [tilespmem:v53+s2+$0x0], $0xffff  }
0x144: {  	v8 =	vadd.s32 v57, v21;
	v18 =	vadd.f32 v18, v29;
	v62 =	vld.idx.msk [tilespmem:v55+s2+$0x0], $0xffff  }
0x145: {  	v6 =	vld.idx.msk [tilespmem:v6+s2+$0x0], $0xffff;
	v28 =	vadd.f32 v49, v48  }
0x146: {  	v17 =	vadd.f32 v17, v35;
	v40 =	vadd.f32 v39, v40;
	v7 =	vld.idx.msk [tilespmem:v7+s2+$0x0], $0xffff;
	[tilespmem:v14+s11+$0x0] =	vst.idx.msk $0xffff, v18  }
0x147: {  	v10 =	vld.idx.msk [tilespmem:v10+s2+$0x0], $0xffff;
	v19 =	vadd.f32 v28, v19;
	v34 =	vadd.s32 v50, v25;
	v0 =	vadd.f32 v3, v0  }
0x148: {  	v9 =	vadd.s32 v50, v15;
	v5 =	vadd.f32 v32, v5;
	v41 =	vadd.f32 v44, v38  }
0x149: {  	v8 =	vld.idx.msk [tilespmem:v8+s2+$0x0], $0xffff;
	v24 =	vadd.s32 v50, v23;
	v44 =	vadd.f32 v36, v13;
	v49 =	vadd.f32 v46, v45  }
0x14a: {  	v61 =	vand.u32 $0x7F, v25;
	v51 =	vadd.f32 v26, v47;
	v52 =	vadd.f32 v31, v27;
	[tilespmem:v59+s11+$0x0] =	vst.idx.msk $0xffff, v17  }
0x14b: {  	v57 =	vadd.s32 v50, v21;
	v3 =	vadd.f32 v60, v58;
	v22 =	vadd.f32 v30, v22;
	v60 =	vld [tilespmem:$0x1FEA0]  }
0x14c: {  	v63 =	vand.u32 $0x7F, v23;
	v6 =	vadd.f32 v6, v62;
	v7 =	vadd.f32 v10, v7  }
0x14d: {  	v37 =	vand.u32 $0x7F, v21;
	v1 =	vadd.f32 v19, v1;
	v0 =	vadd.f32 v5, v0;
	v9 =	vld.idx.msk [tilespmem:v9+s2+$0x0], $0xffff  }
0x14e: {  	v50 =	vand.u32 $0x7F, v15;
	v48 =	vadd.f32 v41, v40;
	v5 =	vadd.f32 v8, v42;
	v54 =	vld.idx.msk [tilespmem:v34+s2+$0x0], $0xffff  }
0x14f: {  	v15 =	vor.u32 v11, v50;
	v58 =	vadd.f32 v22, v52;
	v3 =	vadd.f32 v6, v3;
	v24 =	vld.idx.msk [tilespmem:v24+s2+$0x0], $0xffff  }
0x150: {  	v20 =	vor.u32 v11, v61;
	v0 =	vadd.f32 v0, v2;
	v2 =	vadd.f32 v51, v49;
	v57 =	vld.idx.msk [tilespmem:v57+s2+$0x0], $0xffff  }
0x151: {  	v55 =	vor.u32 v11, v63;
	v16 =	vadd.f32 v48, v44;
	v5 =	vadd.f32 v5, v7  }
0x152: {  	v53 =	vor.u32 v37, v11;
	v2 =	vadd.f32 v58, v2;
	v0 =	vadd.f32 v0, v9  }
0x153: {  	v3 =	vadd.f32 v5, v3;
	v61 =	vadd.f32 v16, v54;
	[tilespmem:v60+s11+$0x0] =	vst.idx.msk $0xffff, v1  }
0x154: {  	v62 =	vadd.f32 v2, v24;
	[tilespmem:v15+s11+$0x0] =	vst.idx.msk $0xffff, v0  }
0x155: {  	s13 =	sadd.s32 $0x1, s13;
	v63 =	vadd.f32 v3, v57;
	[tilespmem:v20+s11+$0x0] =	vst.idx.msk $0xffff, v61  }
0x156: {  	s14 =	sshll.u32 s14, $0xA;
	p0 =	sne.s32 s13, s7;
	[tilespmem:v55+s11+$0x0] =	vst.idx.msk $0xffff, v62  }
.Ltmp2:
0x157: {  	s14 =	sadd.s32 s1, s14;
	[tilespmem:v53+s11+$0x0] =	vst.idx.msk $0xffff, v63;
	(pc) =	sbr.rel @p0 .LBB2_2-.Ltmp2, $4  }
0x158: {  	[hbm4b:s14+s2] =	stream.linear.scatter [tilespmem:s11], [sflag:$0x1], $0x2000, $0x38;
	[tilespmem:$0xD900] =	vst v63  }
0x159: {  	_ =	swait.ge [sflag:s9], $0x2000  }
0x15a: {  	[sflag:s9] =	ssyncset.done $0x0  }
0x15b: {  	v57 =	vld [tilespmem:$0x1FFE0];
	[sflag:s9] =	ssyncadd.s32 $0xFFFFE000  }
0x15c: {  	s12 =	sadd.s32 $0x1, s12  }
0x15d: {  	p0 =	sne.s32 s12, s8  }
.Ltmp3:
0x15e: {  	_ = 	snop;
	(pc) =	sbr.rel @p0 .LBB2_1-.Ltmp3, $1  }
0x15f: {  	_ =	sdelay $0x3  }
0x160: {  	_ =	sfence.sel $0x180000  }
0x161: {  	[bflag:$0x0] =	sbarrier.arrive $0xFFFF  }
0x162: {  	p0 =	sne.s32 s3, $0x0;
	_ =	strace $0x90000047  }
0x163: {  	s0 =	sadd.s32 @!p0 $0x100000, s0;
	[bflag:$0x2] =	sbarrier.arrive $0xFFFF  }
0x164: {  	[sflag:s0] =	ssyncadd.tile.s32 @!p0 $0x1;
	_ =	shalt  }
.Lfunc_end2:
_tile_overlayer_lowered:
.L_overlay_start_2:
0x165: {  	(tag) =	ssettag $0x2  }
0x166: {  	s0 =	rddreg [dreg:$0x0];
	s2 =	stileid.u32  }
0x167: {  	s1 =	rddreg [dreg:$0x1];
	p0 =	sne.s32 s2, $0x0  }
0x168: {  	s3 =	rddreg [dreg:$0x2];
	[bflag:$0x3] =	sbarrier.arrive $0xFFFF;
	s2 =	simm.s32 @!p0 $0x1C01  }
0x169: {  	[timem:s3], [sflag:s2] =	dma.local @!p0 [hbm:s0], s1  }
0x16a: {  	s0 =	simm.s32 @!p0 $0x1  }
0x16b: {  	_ =	swait.ge @!p0 [sflag:s0], s1  }
0x16c: {  	s1 =	ssub.s32 @!p0 $0x0, s1;
	[sflag:s0] =	ssyncset.done @!p0 $0x0  }
0x16d: {  	[sflag:s0] =	ssyncadd.s32 @!p0 s1  }
0x16e: {  	[bflag:$0x3] =	sbarrier.arrive $0xFFFF  }
0x16f: {  	_ =	shalt  }

</sc_bundles>
